<compile_context>
chip_gen: v7x
topology: tpu7x:2x2x1
jax: 0.10.2.dev20260603
libtpu: 0.0.44.dev20260713+nightly
codegen_flags: <defaults>
</compile_context>

<pallas_src>
import functools

import jax
import jax.numpy as jnp
from jax import lax
from jax.experimental import pallas as pl
from jax.experimental.pallas import tpu as pltpu
from jax.experimental.pallas import tpu_sc as plsc

HALF = 128
CHUNK = 128
N_TILES = 16
N_CORES = 2


def _sc_aggregate(gsrc, dstp, feat2, n_nodes):
    n_chunks_total = dstp.shape[0]
    n_chunks = n_chunks_total // N_TILES
    n_phases = 2
    cpp = n_chunks // n_phases
    acc_rows = ((n_nodes + 1 + N_TILES * CHUNK - 1)
                // (N_TILES * CHUNK)) * (N_TILES * CHUNK)
    zero_blocks = acc_rows // (N_TILES * CHUNK)
    out_block = 400
    assert n_nodes % out_block == 0
    n_out_blocks = n_nodes // out_block
    out_rounds = (n_out_blocks + N_TILES - 1) // N_TILES

    mesh = plsc.VectorSubcoreMesh(core_axis_name="c", subcore_axis_name="s")

    @functools.partial(
        pl.kernel,
        out_type=jax.ShapeDtypeStruct((N_CORES, n_nodes, HALF), jnp.float32),
        mesh=mesh,
        scratch_types=[
            pltpu.VMEM_SHARED((acc_rows, HALF), jnp.float32),
            pltpu.VMEM((cpp, CHUNK), jnp.int32),
            pltpu.VMEM((cpp, CHUNK), jnp.int32),
            pltpu.VMEM((2, CHUNK, HALF), jnp.float32),
            pltpu.SemaphoreType.DMA,
            pltpu.SemaphoreType.DMA,
        ],
    )
    def body(gsrc_hbm, dst_hbm, feat_hbm, out_hbm,
             acc, sidx, didx, rows, sem0, sem1):
        c = lax.axis_index("c")
        s = lax.axis_index("s")
        sems = (sem0, sem1)
        cbase = s * n_chunks

        zvec = jnp.zeros((16,), jnp.float32)

        def zrow(i, carry):
            for j in range(HALF // 16):
                rows[0, i, pl.ds(j * 16, 16)] = zvec
            return carry

        lax.fori_loop(0, CHUNK, zrow, 0)
        zbase = s * (zero_blocks * CHUNK)
        for k in range(zero_blocks):
            pltpu.sync_copy(rows.at[0],
                            acc.at[pl.ds(zbase + k * CHUNK, CHUNK)])
        plsc.subcore_barrier()

        SUB = CHUNK // 2

        def gather_start(g, buf):
            pltpu.async_copy(feat_hbm.at[sidx.at[g, pl.ds(0, SUB)]],
                             rows.at[buf, pl.ds(0, SUB)], sems[buf])
            pltpu.async_copy(feat_hbm.at[sidx.at[g, pl.ds(SUB, SUB)]],
                             rows.at[buf, pl.ds(SUB, SUB)], sems[buf])

        def gather_wait(g, buf):
            pltpu.make_async_copy(feat_hbm.at[sidx.at[g, pl.ds(0, SUB)]],
                                  rows.at[buf, pl.ds(0, SUB)],
                                  sems[buf]).wait()
            pltpu.make_async_copy(feat_hbm.at[sidx.at[g, pl.ds(SUB, SUB)]],
                                  rows.at[buf, pl.ds(SUB, SUB)],
                                  sems[buf]).wait()

        def scatter_add(g, buf):
            pltpu.sync_copy(rows.at[buf], acc.at[didx.at[g]], add=True)

        for p in range(n_phases):
            pbase = cbase + p * cpp
            pltpu.sync_copy(gsrc_hbm.at[pl.ds(pbase, cpp)], sidx)
            pltpu.sync_copy(dst_hbm.at[pl.ds(pbase, cpp)], didx)

            def xrow(i, carry):
                for q in range(CHUNK // 16):
                    sl = pl.ds(q * 16, 16)
                    sidx[i, sl] = 2 * sidx[i, sl] + c
                return carry

            lax.fori_loop(0, cpp, xrow, 0)

            gather_start(0, 0)

            def pair_body(i, carry):
                for h in range(2):
                    g = 2 * i + h
                    nxt = g + 1

                    @pl.when(nxt < cpp)
                    def _():
                        gather_start(nxt, 1 - h)

                    gather_wait(g, h)
                    scatter_add(g, h)
                return carry

            lax.fori_loop(0, cpp // 2, pair_body, 0)
        plsc.subcore_barrier()

        for k in range(out_rounds):
            blk = s + N_TILES * k

            @pl.when(blk < n_out_blocks)
            def _():
                pltpu.sync_copy(
                    acc.at[pl.ds(blk * out_block, out_block)],
                    out_hbm.at[c, pl.ds(blk * out_block, out_block)])

    return body(gsrc, dstp, feat2)


def _tc_finish(agg, W, b):
    _, n, _ = agg.shape
    d_out = W.shape[1]
    block_rows = 1000

    def body(x_ref, w_ref, b_ref, o_ref):
        y = jnp.dot(x_ref[0], w_ref[:HALF, :],
                    preferred_element_type=jnp.float32)
        y = y + jnp.dot(x_ref[1], w_ref[HALF:, :],
                        preferred_element_type=jnp.float32)
        bb = b_ref[...]
        act = jnp.maximum(y + bb, 0.0)
        o_ref[...] = 2.0 * (act - bb)

    return pl.pallas_call(
        body,
        grid=(n // block_rows,),
        in_specs=[
            pl.BlockSpec((N_CORES, block_rows, HALF), lambda i: (0, i, 0)),
            pl.BlockSpec(W.shape, lambda i: (0, 0)),
            pl.BlockSpec(b.shape, lambda i: (0, 0)),
        ],
        out_specs=pl.BlockSpec((block_rows, d_out), lambda i: (i, 0)),
        out_shape=jax.ShapeDtypeStruct((n, d_out), jnp.float32),
    )(agg, W, b)


def kernel(features, edge_index, W, b):
    n, d = features.shape
    e = edge_index.shape[1]
    assert d == 2 * HALF

    src = edge_index[0].astype(jnp.int32)
    dst = edge_index[1].astype(jnp.int32)

    tile_quantum = 4 * N_TILES * CHUNK
    e_pad = ((e + tile_quantum - 1) // tile_quantum) * tile_quantum
    pad = e_pad - e
    src_p = jnp.concatenate([src, jnp.zeros((pad,), jnp.int32)])
    dst_p = jnp.concatenate([dst, jnp.full((pad,), n, jnp.int32)])
    gsrc = src_p.reshape(-1, CHUNK)
    dst_p = dst_p.reshape(-1, CHUNK)

    feat2 = features.reshape(2 * n, HALF)
    agg = _sc_aggregate(gsrc, dst_p, feat2, n)
    return _tc_finish(agg, W, b)

# --- scband reference (transcript-rebuilt; emitter-appended) ---
"""Pipeline reference for scband-gcnspectral-preserving-layer-73289321939136 (READ-ONLY COPY).

The authoritative reference and input builder live on the scoring server;
editing this copy changes nothing except your own understanding.
"""

import jax, jax.numpy as jnp
import numpy as np

N_NODES = 10000
N_EDGES = 160000
D_FEAT = 256
D_OUT = 256

def setup_inputs(seed: int = 0) -> dict:
    key = jax.random.key(seed)
    k1, k2, k3 = jax.random.split(key, 3)
    features = jax.random.normal(k1, (N_NODES, D_FEAT), dtype=jnp.float32)
    edge_index = jax.random.randint(k2, (2, N_EDGES), 0, N_NODES)
    W = jax.random.normal(k3, (D_FEAT, D_OUT), dtype=jnp.float32) * 0.05
    b = jnp.zeros((1, D_OUT), dtype=jnp.float32)
    return {"features": features, "edge_index": edge_index, "W": W, "b": b}

def reference(features, edge_index, W, b):
    # Sparse adjacency matmul A @ features: gather by src node, scatter-add to dst node.
    # graph_dropout = 0 and dropout = 0 -> both dropouts are identity.
    src = edge_index[0]
    dst = edge_index[1]
    gathered = jnp.take(features, src, axis=0)
    aggregated = jax.ops.segment_sum(gathered, dst, num_segments=features.shape[0])
    pre = jnp.matmul(aggregated, W) + b
    act = jax.nn.relu(pre)
    return 2.0 * (act - b)

if __name__ == "__main__":
    import jax
    _d = setup_inputs()
    print(jax.jit(kernel)(*tuple(_d.values())))

</pallas_src>

<mosaic_0001>
#map = affine_map<(d0, d1) -> (0, 0)>
#map1 = affine_map<(d0, d1) -> (0, 0, 0)>
module attributes {stable_mosaic.version = 14 : i64} {
  func.func @body(%arg0: i32, %arg1: i32, %arg2: memref<1280x128xi32, #tpu.memory_space<hbm>>, %arg3: memref<1280x128xi32, #tpu.memory_space<hbm>>, %arg4: memref<20000x128xf32, #tpu.memory_space<hbm>>, %arg5: memref<2x10000x128xf32, #tpu.memory_space<hbm>>, %arg6: memref<10240x128xf32, #tpu.memory_space<vmem_shared>>, %arg7: memref<40x128xi32, #tpu.memory_space<vmem>>, %arg8: memref<40x128xi32, #tpu.memory_space<vmem>>, %arg9: memref<2x128x128xf32, #tpu.memory_space<vmem>>, %arg10: memref<!tpu.dma_semaphore, #tpu.memory_space<semaphore_mem>>, %arg11: memref<!tpu.dma_semaphore, #tpu.memory_space<semaphore_mem>>) attributes {dimension_semantics = [#tpu.dimension_semantics<core_parallel>, #tpu.dimension_semantics<subcore_parallel>], iteration_bounds = array<i64: 2, 16>, scalar_prefetch = 0 : i64, scratch_operands = 6 : i64, tpu.core_type = #tpu.core_type<sc_vector_subcore>, window_params = [{transform_indices = #map}, {transform_indices = #map}, {transform_indices = #map}, {transform_indices = #map1}]} {
    %mul3A = arith.constant 80 : i32
    %mul3A_0 = arith.muli %arg1, %mul3A : i32
    %broadcast_in_dim3A = arith.constant 0.000000e+00 : f32
    %broadcast_in_dim3A_1 = vector.broadcast %broadcast_in_dim3A : f32 to vector<16xf32>
    %scan3A = arith.constant 0 : i32
    %scan3A_2 = arith.constant 0 : i32
    %scan3A_3 = arith.constant 128 : i32
    %scan3A_4 = arith.addi %scan3A_2, %scan3A_3 : i32
    %scan3A_5 = arith.constant 1 : i32
    scf.for %scan3A_109 = %scan3A_2 to %scan3A_4 step %scan3A_5  : i32 {
      %swap3A = arith.constant 0 : i32
      %swap3A_110 = arith.index_cast %swap3A : i32 to index
      %swap3A_111 = arith.index_cast %scan3A_109 : i32 to index
      %swap3A_112 = arith.constant 0 : index
      %swap3A_113 = tpu.vector_load %arg9[%swap3A_110, %swap3A_111, %swap3A_112] {strides = array<i32>} : memref<2x128x128xf32, #tpu.memory_space<vmem>>, vector<1x1x16xf32>,
      %swap3A_114 = vector.shape_cast %swap3A_113 : vector<1x1x16xf32> to vector<16xf32>
      %swap3A_115 = vector.shape_cast %broadcast_in_dim3A_1 : vector<16xf32> to vector<1x1x16xf32>
      tpu.vector_store %arg9[%swap3A_110, %swap3A_111, %swap3A_112], %swap3A_115 {strides = array<i32>} : memref<2x128x128xf32, #tpu.memory_space<vmem>>, vector<1x1x16xf32>,
      %swap3A_116 = arith.constant 0 : i32
      %swap3A_117 = arith.index_cast %swap3A_116 : i32 to index
      %swap3A_118 = arith.index_cast %scan3A_109 : i32 to index
      %swap3A_119 = arith.constant 16 : index
      %swap3A_120 = tpu.vector_load %arg9[%swap3A_117, %swap3A_118, %swap3A_119] {strides = array<i32>} : memref<2x128x128xf32, #tpu.memory_space<vmem>>, vector<1x1x16xf32>,
      %swap3A_121 = vector.shape_cast %swap3A_120 : vector<1x1x16xf32> to vector<16xf32>
      %swap3A_122 = vector.shape_cast %broadcast_in_dim3A_1 : vector<16xf32> to vector<1x1x16xf32>
      tpu.vector_store %arg9[%swap3A_117, %swap3A_118, %swap3A_119], %swap3A_122 {strides = array<i32>} : memref<2x128x128xf32, #tpu.memory_space<vmem>>, vector<1x1x16xf32>,
      %swap3A_123 = arith.constant 0 : i32
      %swap3A_124 = arith.index_cast %swap3A_123 : i32 to index
      %swap3A_125 = arith.index_cast %scan3A_109 : i32 to index
      %swap3A_126 = arith.constant 32 : index
      %swap3A_127 = tpu.vector_load %arg9[%swap3A_124, %swap3A_125, %swap3A_126] {strides = array<i32>} : memref<2x128x128xf32, #tpu.memory_space<vmem>>, vector<1x1x16xf32>,
      %swap3A_128 = vector.shape_cast %swap3A_127 : vector<1x1x16xf32> to vector<16xf32>
      %swap3A_129 = vector.shape_cast %broadcast_in_dim3A_1 : vector<16xf32> to vector<1x1x16xf32>
      tpu.vector_store %arg9[%swap3A_124, %swap3A_125, %swap3A_126], %swap3A_129 {strides = array<i32>} : memref<2x128x128xf32, #tpu.memory_space<vmem>>, vector<1x1x16xf32>,
      %swap3A_130 = arith.constant 0 : i32
      %swap3A_131 = arith.index_cast %swap3A_130 : i32 to index
      %swap3A_132 = arith.index_cast %scan3A_109 : i32 to index
      %swap3A_133 = arith.constant 48 : index
      %swap3A_134 = tpu.vector_load %arg9[%swap3A_131, %swap3A_132, %swap3A_133] {strides = array<i32>} : memref<2x128x128xf32, #tpu.memory_space<vmem>>, vector<1x1x16xf32>,
      %swap3A_135 = vector.shape_cast %swap3A_134 : vector<1x1x16xf32> to vector<16xf32>
      %swap3A_136 = vector.shape_cast %broadcast_in_dim3A_1 : vector<16xf32> to vector<1x1x16xf32>
      tpu.vector_store %arg9[%swap3A_131, %swap3A_132, %swap3A_133], %swap3A_136 {strides = array<i32>} : memref<2x128x128xf32, #tpu.memory_space<vmem>>, vector<1x1x16xf32>,
      %swap3A_137 = arith.constant 0 : i32
      %swap3A_138 = arith.index_cast %swap3A_137 : i32 to index
      %swap3A_139 = arith.index_cast %scan3A_109 : i32 to index
      %swap3A_140 = arith.constant 64 : index
      %swap3A_141 = tpu.vector_load %arg9[%swap3A_138, %swap3A_139, %swap3A_140] {strides = array<i32>} : memref<2x128x128xf32, #tpu.memory_space<vmem>>, vector<1x1x16xf32>,
      %swap3A_142 = vector.shape_cast %swap3A_141 : vector<1x1x16xf32> to vector<16xf32>
      %swap3A_143 = vector.shape_cast %broadcast_in_dim3A_1 : vector<16xf32> to vector<1x1x16xf32>
      tpu.vector_store %arg9[%swap3A_138, %swap3A_139, %swap3A_140], %swap3A_143 {strides = array<i32>} : memref<2x128x128xf32, #tpu.memory_space<vmem>>, vector<1x1x16xf32>,
      %swap3A_144 = arith.constant 0 : i32
      %swap3A_145 = arith.index_cast %swap3A_144 : i32 to index
      %swap3A_146 = arith.index_cast %scan3A_109 : i32 to index
      %swap3A_147 = arith.constant 80 : index
      %swap3A_148 = tpu.vector_load %arg9[%swap3A_145, %swap3A_146, %swap3A_147] {strides = array<i32>} : memref<2x128x128xf32, #tpu.memory_space<vmem>>, vector<1x1x16xf32>,
      %swap3A_149 = vector.shape_cast %swap3A_148 : vector<1x1x16xf32> to vector<16xf32>
      %swap3A_150 = vector.shape_cast %broadcast_in_dim3A_1 : vector<16xf32> to vector<1x1x16xf32>
      tpu.vector_store %arg9[%swap3A_145, %swap3A_146, %swap3A_147], %swap3A_150 {strides = array<i32>} : memref<2x128x128xf32, #tpu.memory_space<vmem>>, vector<1x1x16xf32>,
      %swap3A_151 = arith.constant 0 : i32
      %swap3A_152 = arith.index_cast %swap3A_151 : i32 to index
      %swap3A_153 = arith.index_cast %scan3A_109 : i32 to index
      %swap3A_154 = arith.constant 96 : index
      %swap3A_155 = tpu.vector_load %arg9[%swap3A_152, %swap3A_153, %swap3A_154] {strides = array<i32>} : memref<2x128x128xf32, #tpu.memory_space<vmem>>, vector<1x1x16xf32>,
      %swap3A_156 = vector.shape_cast %swap3A_155 : vector<1x1x16xf32> to vector<16xf32>
      %swap3A_157 = vector.shape_cast %broadcast_in_dim3A_1 : vector<16xf32> to vector<1x1x16xf32>
      tpu.vector_store %arg9[%swap3A_152, %swap3A_153, %swap3A_154], %swap3A_157 {strides = array<i32>} : memref<2x128x128xf32, #tpu.memory_space<vmem>>, vector<1x1x16xf32>,
      %swap3A_158 = arith.constant 0 : i32
      %swap3A_159 = arith.index_cast %swap3A_158 : i32 to index
      %swap3A_160 = arith.index_cast %scan3A_109 : i32 to index
      %swap3A_161 = arith.constant 112 : index
      %swap3A_162 = tpu.vector_load %arg9[%swap3A_159, %swap3A_160, %swap3A_161] {strides = array<i32>} : memref<2x128x128xf32, #tpu.memory_space<vmem>>, vector<1x1x16xf32>,
      %swap3A_163 = vector.shape_cast %swap3A_162 : vector<1x1x16xf32> to vector<16xf32>
      %swap3A_164 = vector.shape_cast %broadcast_in_dim3A_1 : vector<16xf32> to vector<1x1x16xf32>
      tpu.vector_store %arg9[%swap3A_159, %swap3A_160, %swap3A_161], %swap3A_164 {strides = array<i32>} : memref<2x128x128xf32, #tpu.memory_space<vmem>>, vector<1x1x16xf32>,
    }
    %scan3A_6 = arith.constant 128 : i32
    %mul3A_7 = arith.constant 640 : i32
    %mul3A_8 = arith.muli %arg1, %mul3A_7 : i32
    %add3A = arith.constant 0 : i32
    %add3A_9 = arith.addi %mul3A_8, %add3A : i32
    %run_scoped3A = arith.constant 0 : i32
    "tpu.region"() ({
      %run_scoped3A_109 = tpu.sem_alloc : memref<!tpu.dma_semaphore, #tpu.memory_space<semaphore_mem>>
      %dma_start3A_110 = arith.constant 0 : i32
      %dma_start3A_111 = arith.constant 0 : i32
      %dma_start3A_112 = tpu.memref_slice %arg9[%run_scoped3A, %dma_start3A_110, %dma_start3A_111] : memref<2x128x128xf32, #tpu.memory_space<vmem>> -> memref<1x128x128xf32, #tpu.memory_space<vmem>>
      %dma_start3A_113 = tpu.memref_squeeze %dma_start3A_112 : memref<1x128x128xf32, #tpu.memory_space<vmem>> -> memref<128x128xf32, #tpu.memory_space<vmem>>
      %dma_start3A_114 = arith.constant 0 : i32
      %dma_start3A_115 = tpu.memref_slice %arg6[%add3A_9, %dma_start3A_114] : memref<10240x128xf32, #tpu.memory_space<vmem_shared>> -> memref<128x128xf32, #tpu.memory_space<vmem_shared>>
      %dma_start3A_116 = arith.constant 0 : i32
      %dma_start3A_117 = tpu.memref_slice %arg6[%add3A_9, %dma_start3A_116] : memref<10240x128xf32, #tpu.memory_space<vmem_shared>> -> memref<128x128xf32, #tpu.memory_space<vmem_shared>>
      %dma_start3A_118 = arith.constant 0 : i32
      %dma_start3A_119 = arith.constant 0 : i32
      %dma_start3A_120 = tpu.memref_slice %arg9[%run_scoped3A, %dma_start3A_118, %dma_start3A_119] : memref<2x128x128xf32, #tpu.memory_space<vmem>> -> memref<1x128x128xf32, #tpu.memory_space<vmem>>
      %dma_start3A_121 = tpu.memref_squeeze %dma_start3A_120 : memref<1x128x128xf32, #tpu.memory_space<vmem>> -> memref<128x128xf32, #tpu.memory_space<vmem>>
      tpu.enqueue_dma source(%dma_start3A_121 : memref<128x128xf32, #tpu.memory_space<vmem>>) target(%dma_start3A_117 : memref<128x128xf32, #tpu.memory_space<vmem_shared>>) target_semaphore(%run_scoped3A_109 : memref<!tpu.dma_semaphore, #tpu.memory_space<semaphore_mem>>)
      %dma_wait3A = arith.constant 0 : i32
      %dma_wait3A_122 = arith.constant 0 : i32
      %dma_wait3A_123 = tpu.memref_slice %arg9[%run_scoped3A, %dma_wait3A, %dma_wait3A_122] : memref<2x128x128xf32, #tpu.memory_space<vmem>> -> memref<1x128x128xf32, #tpu.memory_space<vmem>>
      %dma_wait3A_124 = tpu.memref_squeeze %dma_wait3A_123 : memref<1x128x128xf32, #tpu.memory_space<vmem>> -> memref<128x128xf32, #tpu.memory_space<vmem>>
      %dma_wait3A_125 = arith.constant 0 : i32
      %dma_wait3A_126 = tpu.memref_slice %arg6[%add3A_9, %dma_wait3A_125] : memref<10240x128xf32, #tpu.memory_space<vmem_shared>> -> memref<128x128xf32, #tpu.memory_space<vmem_shared>>
      %dma_wait3A_127 = arith.constant 0 : i32
      %dma_wait3A_128 = tpu.memref_slice %arg6[%add3A_9, %dma_wait3A_127] : memref<10240x128xf32, #tpu.memory_space<vmem_shared>> -> memref<128x128xf32, #tpu.memory_space<vmem_shared>>
      %dma_wait3A_129 = arith.constant 0 : i32
      %dma_wait3A_130 = arith.constant 0 : i32
      %dma_wait3A_131 = tpu.memref_slice %arg9[%run_scoped3A, %dma_wait3A_129, %dma_wait3A_130] : memref<2x128x128xf32, #tpu.memory_space<vmem>> -> memref<1x128x128xf32, #tpu.memory_space<vmem>>
      %dma_wait3A_132 = tpu.memref_squeeze %dma_wait3A_131 : memref<1x128x128xf32, #tpu.memory_space<vmem>> -> memref<128x128xf32, #tpu.memory_space<vmem>>
      tpu.wait_dma2 semaphore(%run_scoped3A_109 : memref<!tpu.dma_semaphore, #tpu.memory_space<semaphore_mem>>) src(%dma_wait3A_132 : memref<128x128xf32, #tpu.memory_space<vmem>>) dst(%dma_wait3A_128 : memref<128x128xf32, #tpu.memory_space<vmem_shared>>)
      tpu.yield
    }) : () -> ()
    %add3A_10 = arith.constant 128 : i32
    %add3A_11 = arith.addi %mul3A_8, %add3A_10 : i32
    %run_scoped3A_12 = arith.constant 0 : i32
    "tpu.region"() ({
      %run_scoped3A_109 = tpu.sem_alloc : memref<!tpu.dma_semaphore, #tpu.memory_space<semaphore_mem>>
      %dma_start3A_110 = arith.constant 0 : i32
      %dma_start3A_111 = arith.constant 0 : i32
      %dma_start3A_112 = tpu.memref_slice %arg9[%run_scoped3A_12, %dma_start3A_110, %dma_start3A_111] : memref<2x128x128xf32, #tpu.memory_space<vmem>> -> memref<1x128x128xf32, #tpu.memory_space<vmem>>
      %dma_start3A_113 = tpu.memref_squeeze %dma_start3A_112 : memref<1x128x128xf32, #tpu.memory_space<vmem>> -> memref<128x128xf32, #tpu.memory_space<vmem>>
      %dma_start3A_114 = arith.constant 0 : i32
      %dma_start3A_115 = tpu.memref_slice %arg6[%add3A_11, %dma_start3A_114] : memref<10240x128xf32, #tpu.memory_space<vmem_shared>> -> memref<128x128xf32, #tpu.memory_space<vmem_shared>>
      %dma_start3A_116 = arith.constant 0 : i32
      %dma_start3A_117 = tpu.memref_slice %arg6[%add3A_11, %dma_start3A_116] : memref<10240x128xf32, #tpu.memory_space<vmem_shared>> -> memref<128x128xf32, #tpu.memory_space<vmem_shared>>
      %dma_start3A_118 = arith.constant 0 : i32
      %dma_start3A_119 = arith.constant 0 : i32
      %dma_start3A_120 = tpu.memref_slice %arg9[%run_scoped3A_12, %dma_start3A_118, %dma_start3A_119] : memref<2x128x128xf32, #tpu.memory_space<vmem>> -> memref<1x128x128xf32, #tpu.memory_space<vmem>>
      %dma_start3A_121 = tpu.memref_squeeze %dma_start3A_120 : memref<1x128x128xf32, #tpu.memory_space<vmem>> -> memref<128x128xf32, #tpu.memory_space<vmem>>
      tpu.enqueue_dma source(%dma_start3A_121 : memref<128x128xf32, #tpu.memory_space<vmem>>) target(%dma_start3A_117 : memref<128x128xf32, #tpu.memory_space<vmem_shared>>) target_semaphore(%run_scoped3A_109 : memref<!tpu.dma_semaphore, #tpu.memory_space<semaphore_mem>>)
      %dma_wait3A = arith.constant 0 : i32
      %dma_wait3A_122 = arith.constant 0 : i32
      %dma_wait3A_123 = tpu.memref_slice %arg9[%run_scoped3A_12, %dma_wait3A, %dma_wait3A_122] : memref<2x128x128xf32, #tpu.memory_space<vmem>> -> memref<1x128x128xf32, #tpu.memory_space<vmem>>
      %dma_wait3A_124 = tpu.memref_squeeze %dma_wait3A_123 : memref<1x128x128xf32, #tpu.memory_space<vmem>> -> memref<128x128xf32, #tpu.memory_space<vmem>>
      %dma_wait3A_125 = arith.constant 0 : i32
      %dma_wait3A_126 = tpu.memref_slice %arg6[%add3A_11, %dma_wait3A_125] : memref<10240x128xf32, #tpu.memory_space<vmem_shared>> -> memref<128x128xf32, #tpu.memory_space<vmem_shared>>
      %dma_wait3A_127 = arith.constant 0 : i32
      %dma_wait3A_128 = tpu.memref_slice %arg6[%add3A_11, %dma_wait3A_127] : memref<10240x128xf32, #tpu.memory_space<vmem_shared>> -> memref<128x128xf32, #tpu.memory_space<vmem_shared>>
      %dma_wait3A_129 = arith.constant 0 : i32
      %dma_wait3A_130 = arith.constant 0 : i32
      %dma_wait3A_131 = tpu.memref_slice %arg9[%run_scoped3A_12, %dma_wait3A_129, %dma_wait3A_130] : memref<2x128x128xf32, #tpu.memory_space<vmem>> -> memref<1x128x128xf32, #tpu.memory_space<vmem>>
      %dma_wait3A_132 = tpu.memref_squeeze %dma_wait3A_131 : memref<1x128x128xf32, #tpu.memory_space<vmem>> -> memref<128x128xf32, #tpu.memory_space<vmem>>
      tpu.wait_dma2 semaphore(%run_scoped3A_109 : memref<!tpu.dma_semaphore, #tpu.memory_space<semaphore_mem>>) src(%dma_wait3A_132 : memref<128x128xf32, #tpu.memory_space<vmem>>) dst(%dma_wait3A_128 : memref<128x128xf32, #tpu.memory_space<vmem_shared>>)
      tpu.yield
    }) : () -> ()
    %add3A_13 = arith.constant 256 : i32
    %add3A_14 = arith.addi %mul3A_8, %add3A_13 : i32
    %run_scoped3A_15 = arith.constant 0 : i32
    "tpu.region"() ({
      %run_scoped3A_109 = tpu.sem_alloc : memref<!tpu.dma_semaphore, #tpu.memory_space<semaphore_mem>>
      %dma_start3A_110 = arith.constant 0 : i32
      %dma_start3A_111 = arith.constant 0 : i32
      %dma_start3A_112 = tpu.memref_slice %arg9[%run_scoped3A_15, %dma_start3A_110, %dma_start3A_111] : memref<2x128x128xf32, #tpu.memory_space<vmem>> -> memref<1x128x128xf32, #tpu.memory_space<vmem>>
      %dma_start3A_113 = tpu.memref_squeeze %dma_start3A_112 : memref<1x128x128xf32, #tpu.memory_space<vmem>> -> memref<128x128xf32, #tpu.memory_space<vmem>>
      %dma_start3A_114 = arith.constant 0 : i32
      %dma_start3A_115 = tpu.memref_slice %arg6[%add3A_14, %dma_start3A_114] : memref<10240x128xf32, #tpu.memory_space<vmem_shared>> -> memref<128x128xf32, #tpu.memory_space<vmem_shared>>
      %dma_start3A_116 = arith.constant 0 : i32
      %dma_start3A_117 = tpu.memref_slice %arg6[%add3A_14, %dma_start3A_116] : memref<10240x128xf32, #tpu.memory_space<vmem_shared>> -> memref<128x128xf32, #tpu.memory_space<vmem_shared>>
      %dma_start3A_118 = arith.constant 0 : i32
      %dma_start3A_119 = arith.constant 0 : i32
      %dma_start3A_120 = tpu.memref_slice %arg9[%run_scoped3A_15, %dma_start3A_118, %dma_start3A_119] : memref<2x128x128xf32, #tpu.memory_space<vmem>> -> memref<1x128x128xf32, #tpu.memory_space<vmem>>
      %dma_start3A_121 = tpu.memref_squeeze %dma_start3A_120 : memref<1x128x128xf32, #tpu.memory_space<vmem>> -> memref<128x128xf32, #tpu.memory_space<vmem>>
      tpu.enqueue_dma source(%dma_start3A_121 : memref<128x128xf32, #tpu.memory_space<vmem>>) target(%dma_start3A_117 : memref<128x128xf32, #tpu.memory_space<vmem_shared>>) target_semaphore(%run_scoped3A_109 : memref<!tpu.dma_semaphore, #tpu.memory_space<semaphore_mem>>)
      %dma_wait3A = arith.constant 0 : i32
      %dma_wait3A_122 = arith.constant 0 : i32
      %dma_wait3A_123 = tpu.memref_slice %arg9[%run_scoped3A_15, %dma_wait3A, %dma_wait3A_122] : memref<2x128x128xf32, #tpu.memory_space<vmem>> -> memref<1x128x128xf32, #tpu.memory_space<vmem>>
      %dma_wait3A_124 = tpu.memref_squeeze %dma_wait3A_123 : memref<1x128x128xf32, #tpu.memory_space<vmem>> -> memref<128x128xf32, #tpu.memory_space<vmem>>
      %dma_wait3A_125 = arith.constant 0 : i32
      %dma_wait3A_126 = tpu.memref_slice %arg6[%add3A_14, %dma_wait3A_125] : memref<10240x128xf32, #tpu.memory_space<vmem_shared>> -> memref<128x128xf32, #tpu.memory_space<vmem_shared>>
      %dma_wait3A_127 = arith.constant 0 : i32
      %dma_wait3A_128 = tpu.memref_slice %arg6[%add3A_14, %dma_wait3A_127] : memref<10240x128xf32, #tpu.memory_space<vmem_shared>> -> memref<128x128xf32, #tpu.memory_space<vmem_shared>>
      %dma_wait3A_129 = arith.constant 0 : i32
      %dma_wait3A_130 = arith.constant 0 : i32
      %dma_wait3A_131 = tpu.memref_slice %arg9[%run_scoped3A_15, %dma_wait3A_129, %dma_wait3A_130] : memref<2x128x128xf32, #tpu.memory_space<vmem>> -> memref<1x128x128xf32, #tpu.memory_space<vmem>>
      %dma_wait3A_132 = tpu.memref_squeeze %dma_wait3A_131 : memref<1x128x128xf32, #tpu.memory_space<vmem>> -> memref<128x128xf32, #tpu.memory_space<vmem>>
      tpu.wait_dma2 semaphore(%run_scoped3A_109 : memref<!tpu.dma_semaphore, #tpu.memory_space<semaphore_mem>>) src(%dma_wait3A_132 : memref<128x128xf32, #tpu.memory_space<vmem>>) dst(%dma_wait3A_128 : memref<128x128xf32, #tpu.memory_space<vmem_shared>>)
      tpu.yield
    }) : () -> ()
    %add3A_16 = arith.constant 384 : i32
    %add3A_17 = arith.addi %mul3A_8, %add3A_16 : i32
    %run_scoped3A_18 = arith.constant 0 : i32
    "tpu.region"() ({
      %run_scoped3A_109 = tpu.sem_alloc : memref<!tpu.dma_semaphore, #tpu.memory_space<semaphore_mem>>
      %dma_start3A_110 = arith.constant 0 : i32
      %dma_start3A_111 = arith.constant 0 : i32
      %dma_start3A_112 = tpu.memref_slice %arg9[%run_scoped3A_18, %dma_start3A_110, %dma_start3A_111] : memref<2x128x128xf32, #tpu.memory_space<vmem>> -> memref<1x128x128xf32, #tpu.memory_space<vmem>>
      %dma_start3A_113 = tpu.memref_squeeze %dma_start3A_112 : memref<1x128x128xf32, #tpu.memory_space<vmem>> -> memref<128x128xf32, #tpu.memory_space<vmem>>
      %dma_start3A_114 = arith.constant 0 : i32
      %dma_start3A_115 = tpu.memref_slice %arg6[%add3A_17, %dma_start3A_114] : memref<10240x128xf32, #tpu.memory_space<vmem_shared>> -> memref<128x128xf32, #tpu.memory_space<vmem_shared>>
      %dma_start3A_116 = arith.constant 0 : i32
      %dma_start3A_117 = tpu.memref_slice %arg6[%add3A_17, %dma_start3A_116] : memref<10240x128xf32, #tpu.memory_space<vmem_shared>> -> memref<128x128xf32, #tpu.memory_space<vmem_shared>>
      %dma_start3A_118 = arith.constant 0 : i32
      %dma_start3A_119 = arith.constant 0 : i32
      %dma_start3A_120 = tpu.memref_slice %arg9[%run_scoped3A_18, %dma_start3A_118, %dma_start3A_119] : memref<2x128x128xf32, #tpu.memory_space<vmem>> -> memref<1x128x128xf32, #tpu.memory_space<vmem>>
      %dma_start3A_121 = tpu.memref_squeeze %dma_start3A_120 : memref<1x128x128xf32, #tpu.memory_space<vmem>> -> memref<128x128xf32, #tpu.memory_space<vmem>>
      tpu.enqueue_dma source(%dma_start3A_121 : memref<128x128xf32, #tpu.memory_space<vmem>>) target(%dma_start3A_117 : memref<128x128xf32, #tpu.memory_space<vmem_shared>>) target_semaphore(%run_scoped3A_109 : memref<!tpu.dma_semaphore, #tpu.memory_space<semaphore_mem>>)
      %dma_wait3A = arith.constant 0 : i32
      %dma_wait3A_122 = arith.constant 0 : i32
      %dma_wait3A_123 = tpu.memref_slice %arg9[%run_scoped3A_18, %dma_wait3A, %dma_wait3A_122] : memref<2x128x128xf32, #tpu.memory_space<vmem>> -> memref<1x128x128xf32, #tpu.memory_space<vmem>>
      %dma_wait3A_124 = tpu.memref_squeeze %dma_wait3A_123 : memref<1x128x128xf32, #tpu.memory_space<vmem>> -> memref<128x128xf32, #tpu.memory_space<vmem>>
      %dma_wait3A_125 = arith.constant 0 : i32
      %dma_wait3A_126 = tpu.memref_slice %arg6[%add3A_17, %dma_wait3A_125] : memref<10240x128xf32, #tpu.memory_space<vmem_shared>> -> memref<128x128xf32, #tpu.memory_space<vmem_shared>>
      %dma_wait3A_127 = arith.constant 0 : i32
      %dma_wait3A_128 = tpu.memref_slice %arg6[%add3A_17, %dma_wait3A_127] : memref<10240x128xf32, #tpu.memory_space<vmem_shared>> -> memref<128x128xf32, #tpu.memory_space<vmem_shared>>
      %dma_wait3A_129 = arith.constant 0 : i32
      %dma_wait3A_130 = arith.constant 0 : i32
      %dma_wait3A_131 = tpu.memref_slice %arg9[%run_scoped3A_18, %dma_wait3A_129, %dma_wait3A_130] : memref<2x128x128xf32, #tpu.memory_space<vmem>> -> memref<1x128x128xf32, #tpu.memory_space<vmem>>
      %dma_wait3A_132 = tpu.memref_squeeze %dma_wait3A_131 : memref<1x128x128xf32, #tpu.memory_space<vmem>> -> memref<128x128xf32, #tpu.memory_space<vmem>>
      tpu.wait_dma2 semaphore(%run_scoped3A_109 : memref<!tpu.dma_semaphore, #tpu.memory_space<semaphore_mem>>) src(%dma_wait3A_132 : memref<128x128xf32, #tpu.memory_space<vmem>>) dst(%dma_wait3A_128 : memref<128x128xf32, #tpu.memory_space<vmem_shared>>)
      tpu.yield
    }) : () -> ()
    %add3A_19 = arith.constant 512 : i32
    %add3A_20 = arith.addi %mul3A_8, %add3A_19 : i32
    %run_scoped3A_21 = arith.constant 0 : i32
    "tpu.region"() ({
      %run_scoped3A_109 = tpu.sem_alloc : memref<!tpu.dma_semaphore, #tpu.memory_space<semaphore_mem>>
      %dma_start3A_110 = arith.constant 0 : i32
      %dma_start3A_111 = arith.constant 0 : i32
      %dma_start3A_112 = tpu.memref_slice %arg9[%run_scoped3A_21, %dma_start3A_110, %dma_start3A_111] : memref<2x128x128xf32, #tpu.memory_space<vmem>> -> memref<1x128x128xf32, #tpu.memory_space<vmem>>
      %dma_start3A_113 = tpu.memref_squeeze %dma_start3A_112 : memref<1x128x128xf32, #tpu.memory_space<vmem>> -> memref<128x128xf32, #tpu.memory_space<vmem>>
      %dma_start3A_114 = arith.constant 0 : i32
      %dma_start3A_115 = tpu.memref_slice %arg6[%add3A_20, %dma_start3A_114] : memref<10240x128xf32, #tpu.memory_space<vmem_shared>> -> memref<128x128xf32, #tpu.memory_space<vmem_shared>>
      %dma_start3A_116 = arith.constant 0 : i32
      %dma_start3A_117 = tpu.memref_slice %arg6[%add3A_20, %dma_start3A_116] : memref<10240x128xf32, #tpu.memory_space<vmem_shared>> -> memref<128x128xf32, #tpu.memory_space<vmem_shared>>
      %dma_start3A_118 = arith.constant 0 : i32
      %dma_start3A_119 = arith.constant 0 : i32
      %dma_start3A_120 = tpu.memref_slice %arg9[%run_scoped3A_21, %dma_start3A_118, %dma_start3A_119] : memref<2x128x128xf32, #tpu.memory_space<vmem>> -> memref<1x128x128xf32, #tpu.memory_space<vmem>>
      %dma_start3A_121 = tpu.memref_squeeze %dma_start3A_120 : memref<1x128x128xf32, #tpu.memory_space<vmem>> -> memref<128x128xf32, #tpu.memory_space<vmem>>
      tpu.enqueue_dma source(%dma_start3A_121 : memref<128x128xf32, #tpu.memory_space<vmem>>) target(%dma_start3A_117 : memref<128x128xf32, #tpu.memory_space<vmem_shared>>) target_semaphore(%run_scoped3A_109 : memref<!tpu.dma_semaphore, #tpu.memory_space<semaphore_mem>>)
      %dma_wait3A = arith.constant 0 : i32
      %dma_wait3A_122 = arith.constant 0 : i32
      %dma_wait3A_123 = tpu.memref_slice %arg9[%run_scoped3A_21, %dma_wait3A, %dma_wait3A_122] : memref<2x128x128xf32, #tpu.memory_space<vmem>> -> memref<1x128x128xf32, #tpu.memory_space<vmem>>
      %dma_wait3A_124 = tpu.memref_squeeze %dma_wait3A_123 : memref<1x128x128xf32, #tpu.memory_space<vmem>> -> memref<128x128xf32, #tpu.memory_space<vmem>>
      %dma_wait3A_125 = arith.constant 0 : i32
      %dma_wait3A_126 = tpu.memref_slice %arg6[%add3A_20, %dma_wait3A_125] : memref<10240x128xf32, #tpu.memory_space<vmem_shared>> -> memref<128x128xf32, #tpu.memory_space<vmem_shared>>
      %dma_wait3A_127 = arith.constant 0 : i32
      %dma_wait3A_128 = tpu.memref_slice %arg6[%add3A_20, %dma_wait3A_127] : memref<10240x128xf32, #tpu.memory_space<vmem_shared>> -> memref<128x128xf32, #tpu.memory_space<vmem_shared>>
      %dma_wait3A_129 = arith.constant 0 : i32
      %dma_wait3A_130 = arith.constant 0 : i32
      %dma_wait3A_131 = tpu.memref_slice %arg9[%run_scoped3A_21, %dma_wait3A_129, %dma_wait3A_130] : memref<2x128x128xf32, #tpu.memory_space<vmem>> -> memref<1x128x128xf32, #tpu.memory_space<vmem>>
      %dma_wait3A_132 = tpu.memref_squeeze %dma_wait3A_131 : memref<1x128x128xf32, #tpu.memory_space<vmem>> -> memref<128x128xf32, #tpu.memory_space<vmem>>
      tpu.wait_dma2 semaphore(%run_scoped3A_109 : memref<!tpu.dma_semaphore, #tpu.memory_space<semaphore_mem>>) src(%dma_wait3A_132 : memref<128x128xf32, #tpu.memory_space<vmem>>) dst(%dma_wait3A_128 : memref<128x128xf32, #tpu.memory_space<vmem_shared>>)
      tpu.yield
    }) : () -> ()
    %barrier3A = arith.constant 0 : index
    tpu.barrier barrier_id(%barrier3A)
    %add3A_22 = arith.constant 0 : i32
    %add3A_23 = arith.addi %mul3A_0, %add3A_22 : i32
    "tpu.region"() ({
      %run_scoped3A_109 = tpu.sem_alloc : memref<!tpu.dma_semaphore, #tpu.memory_space<semaphore_mem>>
      %dma_start3A_110 = arith.constant 0 : i32
      %dma_start3A_111 = tpu.memref_slice %arg2[%add3A_23, %dma_start3A_110] : memref<1280x128xi32, #tpu.memory_space<hbm>> -> memref<40x128xi32, #tpu.memory_space<hbm>>
      %dma_start3A_112 = arith.constant 0 : i32
      %dma_start3A_113 = tpu.memref_slice %arg2[%add3A_23, %dma_start3A_112] : memref<1280x128xi32, #tpu.memory_space<hbm>> -> memref<40x128xi32, #tpu.memory_space<hbm>>
      tpu.enqueue_dma source(%dma_start3A_113 : memref<40x128xi32, #tpu.memory_space<hbm>>) target(%arg7 : memref<40x128xi32, #tpu.memory_space<vmem>>) target_semaphore(%run_scoped3A_109 : memref<!tpu.dma_semaphore, #tpu.memory_space<semaphore_mem>>)
      %dma_wait3A = arith.constant 0 : i32
      %dma_wait3A_114 = tpu.memref_slice %arg2[%add3A_23, %dma_wait3A] : memref<1280x128xi32, #tpu.memory_space<hbm>> -> memref<40x128xi32, #tpu.memory_space<hbm>>
      %dma_wait3A_115 = arith.constant 0 : i32
      %dma_wait3A_116 = tpu.memref_slice %arg2[%add3A_23, %dma_wait3A_115] : memref<1280x128xi32, #tpu.memory_space<hbm>> -> memref<40x128xi32, #tpu.memory_space<hbm>>
      tpu.wait_dma2 semaphore(%run_scoped3A_109 : memref<!tpu.dma_semaphore, #tpu.memory_space<semaphore_mem>>) src(%dma_wait3A_116 : memref<40x128xi32, #tpu.memory_space<hbm>>) dst(%arg7 : memref<40x128xi32, #tpu.memory_space<vmem>>)
      tpu.yield
    }) : () -> ()
    "tpu.region"() ({
      %run_scoped3A_109 = tpu.sem_alloc : memref<!tpu.dma_semaphore, #tpu.memory_space<semaphore_mem>>
      %dma_start3A_110 = arith.constant 0 : i32
      %dma_start3A_111 = tpu.memref_slice %arg3[%add3A_23, %dma_start3A_110] : memref<1280x128xi32, #tpu.memory_space<hbm>> -> memref<40x128xi32, #tpu.memory_space<hbm>>
      %dma_start3A_112 = arith.constant 0 : i32
      %dma_start3A_113 = tpu.memref_slice %arg3[%add3A_23, %dma_start3A_112] : memref<1280x128xi32, #tpu.memory_space<hbm>> -> memref<40x128xi32, #tpu.memory_space<hbm>>
      tpu.enqueue_dma source(%dma_start3A_113 : memref<40x128xi32, #tpu.memory_space<hbm>>) target(%arg8 : memref<40x128xi32, #tpu.memory_space<vmem>>) target_semaphore(%run_scoped3A_109 : memref<!tpu.dma_semaphore, #tpu.memory_space<semaphore_mem>>)
      %dma_wait3A = arith.constant 0 : i32
      %dma_wait3A_114 = tpu.memref_slice %arg3[%add3A_23, %dma_wait3A] : memref<1280x128xi32, #tpu.memory_space<hbm>> -> memref<40x128xi32, #tpu.memory_space<hbm>>
      %dma_wait3A_115 = arith.constant 0 : i32
      %dma_wait3A_116 = tpu.memref_slice %arg3[%add3A_23, %dma_wait3A_115] : memref<1280x128xi32, #tpu.memory_space<hbm>> -> memref<40x128xi32, #tpu.memory_space<hbm>>
      tpu.wait_dma2 semaphore(%run_scoped3A_109 : memref<!tpu.dma_semaphore, #tpu.memory_space<semaphore_mem>>) src(%dma_wait3A_116 : memref<40x128xi32, #tpu.memory_space<hbm>>) dst(%arg8 : memref<40x128xi32, #tpu.memory_space<vmem>>)
      tpu.yield
    }) : () -> ()
    %scan3A_24 = arith.constant 0 : i32
    %scan3A_25 = arith.constant 0 : i32
    %scan3A_26 = arith.constant 40 : i32
    %scan3A_27 = arith.addi %scan3A_25, %scan3A_26 : i32
    %scan3A_28 = arith.constant 1 : i32
    scf.for %scan3A_109 = %scan3A_25 to %scan3A_27 step %scan3A_28  : i32 {
      %get3A = arith.index_cast %scan3A_109 : i32 to index
      %get3A_110 = arith.constant 0 : index
      %get3A_111 = tpu.vector_load %arg7[%get3A, %get3A_110] {strides = array<i32>} : memref<40x128xi32, #tpu.memory_space<vmem>>, vector<1x16xi32>,
      %get3A_112 = vector.shape_cast %get3A_111 : vector<1x16xi32> to vector<16xi32>
      %mul3A_113 = arith.constant 2 : i32
      %mul3A_114 = vector.broadcast %mul3A_113 : i32 to vector<16xi32>
      %mul3A_115 = arith.muli %mul3A_114, %get3A_112 : vector<16xi32>
      %add3A_116 = vector.broadcast %arg0 : i32 to vector<16xi32>
      %add3A_117 = arith.addi %mul3A_115, %add3A_116 : vector<16xi32>
      %swap3A = arith.index_cast %scan3A_109 : i32 to index
      %swap3A_118 = arith.constant 0 : index
      %swap3A_119 = tpu.vector_load %arg7[%swap3A, %swap3A_118] {strides = array<i32>} : memref<40x128xi32, #tpu.memory_space<vmem>>, vector<1x16xi32>,
      %swap3A_120 = vector.shape_cast %swap3A_119 : vector<1x16xi32> to vector<16xi32>
      %swap3A_121 = vector.shape_cast %add3A_117 : vector<16xi32> to vector<1x16xi32>
      tpu.vector_store %arg7[%swap3A, %swap3A_118], %swap3A_121 {strides = array<i32>} : memref<40x128xi32, #tpu.memory_space<vmem>>, vector<1x16xi32>,
      %get3A_122 = arith.index_cast %scan3A_109 : i32 to index
      %get3A_123 = arith.constant 16 : index
      %get3A_124 = tpu.vector_load %arg7[%get3A_122, %get3A_123] {strides = array<i32>} : memref<40x128xi32, #tpu.memory_space<vmem>>, vector<1x16xi32>,
      %get3A_125 = vector.shape_cast %get3A_124 : vector<1x16xi32> to vector<16xi32>
      %mul3A_126 = arith.constant 2 : i32
      %mul3A_127 = vector.broadcast %mul3A_126 : i32 to vector<16xi32>
      %mul3A_128 = arith.muli %mul3A_127, %get3A_125 : vector<16xi32>
      %add3A_129 = vector.broadcast %arg0 : i32 to vector<16xi32>
      %add3A_130 = arith.addi %mul3A_128, %add3A_129 : vector<16xi32>
      %swap3A_131 = arith.index_cast %scan3A_109 : i32 to index
      %swap3A_132 = arith.constant 16 : index
      %swap3A_133 = tpu.vector_load %arg7[%swap3A_131, %swap3A_132] {strides = array<i32>} : memref<40x128xi32, #tpu.memory_space<vmem>>, vector<1x16xi32>,
      %swap3A_134 = vector.shape_cast %swap3A_133 : vector<1x16xi32> to vector<16xi32>
      %swap3A_135 = vector.shape_cast %add3A_130 : vector<16xi32> to vector<1x16xi32>
      tpu.vector_store %arg7[%swap3A_131, %swap3A_132], %swap3A_135 {strides = array<i32>} : memref<40x128xi32, #tpu.memory_space<vmem>>, vector<1x16xi32>,
      %get3A_136 = arith.index_cast %scan3A_109 : i32 to index
      %get3A_137 = arith.constant 32 : index
      %get3A_138 = tpu.vector_load %arg7[%get3A_136, %get3A_137] {strides = array<i32>} : memref<40x128xi32, #tpu.memory_space<vmem>>, vector<1x16xi32>,
      %get3A_139 = vector.shape_cast %get3A_138 : vector<1x16xi32> to vector<16xi32>
      %mul3A_140 = arith.constant 2 : i32
      %mul3A_141 = vector.broadcast %mul3A_140 : i32 to vector<16xi32>
      %mul3A_142 = arith.muli %mul3A_141, %get3A_139 : vector<16xi32>
      %add3A_143 = vector.broadcast %arg0 : i32 to vector<16xi32>
      %add3A_144 = arith.addi %mul3A_142, %add3A_143 : vector<16xi32>
      %swap3A_145 = arith.index_cast %scan3A_109 : i32 to index
      %swap3A_146 = arith.constant 32 : index
      %swap3A_147 = tpu.vector_load %arg7[%swap3A_145, %swap3A_146] {strides = array<i32>} : memref<40x128xi32, #tpu.memory_space<vmem>>, vector<1x16xi32>,
      %swap3A_148 = vector.shape_cast %swap3A_147 : vector<1x16xi32> to vector<16xi32>
      %swap3A_149 = vector.shape_cast %add3A_144 : vector<16xi32> to vector<1x16xi32>
      tpu.vector_store %arg7[%swap3A_145, %swap3A_146], %swap3A_149 {strides = array<i32>} : memref<40x128xi32, #tpu.memory_space<vmem>>, vector<1x16xi32>,
      %get3A_150 = arith.index_cast %scan3A_109 : i32 to index
      %get3A_151 = arith.constant 48 : index
      %get3A_152 = tpu.vector_load %arg7[%get3A_150, %get3A_151] {strides = array<i32>} : memref<40x128xi32, #tpu.memory_space<vmem>>, vector<1x16xi32>,
      %get3A_153 = vector.shape_cast %get3A_152 : vector<1x16xi32> to vector<16xi32>
      %mul3A_154 = arith.constant 2 : i32
      %mul3A_155 = vector.broadcast %mul3A_154 : i32 to vector<16xi32>
      %mul3A_156 = arith.muli %mul3A_155, %get3A_153 : vector<16xi32>
      %add3A_157 = vector.broadcast %arg0 : i32 to vector<16xi32>
      %add3A_158 = arith.addi %mul3A_156, %add3A_157 : vector<16xi32>
      %swap3A_159 = arith.index_cast %scan3A_109 : i32 to index
      %swap3A_160 = arith.constant 48 : index
      %swap3A_161 = tpu.vector_load %arg7[%swap3A_159, %swap3A_160] {strides = array<i32>} : memref<40x128xi32, #tpu.memory_space<vmem>>, vector<1x16xi32>,
      %swap3A_162 = vector.shape_cast %swap3A_161 : vector<1x16xi32> to vector<16xi32>
      %swap3A_163 = vector.shape_cast %add3A_158 : vector<16xi32> to vector<1x16xi32>
      tpu.vector_store %arg7[%swap3A_159, %swap3A_160], %swap3A_163 {strides = array<i32>} : memref<40x128xi32, #tpu.memory_space<vmem>>, vector<1x16xi32>,
      %get3A_164 = arith.index_cast %scan3A_109 : i32 to index
      %get3A_165 = arith.constant 64 : index
      %get3A_166 = tpu.vector_load %arg7[%get3A_164, %get3A_165] {strides = array<i32>} : memref<40x128xi32, #tpu.memory_space<vmem>>, vector<1x16xi32>,
      %get3A_167 = vector.shape_cast %get3A_166 : vector<1x16xi32> to vector<16xi32>
      %mul3A_168 = arith.constant 2 : i32
      %mul3A_169 = vector.broadcast %mul3A_168 : i32 to vector<16xi32>
      %mul3A_170 = arith.muli %mul3A_169, %get3A_167 : vector<16xi32>
      %add3A_171 = vector.broadcast %arg0 : i32 to vector<16xi32>
      %add3A_172 = arith.addi %mul3A_170, %add3A_171 : vector<16xi32>
      %swap3A_173 = arith.index_cast %scan3A_109 : i32 to index
      %swap3A_174 = arith.constant 64 : index
      %swap3A_175 = tpu.vector_load %arg7[%swap3A_173, %swap3A_174] {strides = array<i32>} : memref<40x128xi32, #tpu.memory_space<vmem>>, vector<1x16xi32>,
      %swap3A_176 = vector.shape_cast %swap3A_175 : vector<1x16xi32> to vector<16xi32>
      %swap3A_177 = vector.shape_cast %add3A_172 : vector<16xi32> to vector<1x16xi32>
      tpu.vector_store %arg7[%swap3A_173, %swap3A_174], %swap3A_177 {strides = array<i32>} : memref<40x128xi32, #tpu.memory_space<vmem>>, vector<1x16xi32>,
      %get3A_178 = arith.index_cast %scan3A_109 : i32 to index
      %get3A_179 = arith.constant 80 : index
      %get3A_180 = tpu.vector_load %arg7[%get3A_178, %get3A_179] {strides = array<i32>} : memref<40x128xi32, #tpu.memory_space<vmem>>, vector<1x16xi32>,
      %get3A_181 = vector.shape_cast %get3A_180 : vector<1x16xi32> to vector<16xi32>
      %mul3A_182 = arith.constant 2 : i32
      %mul3A_183 = vector.broadcast %mul3A_182 : i32 to vector<16xi32>
      %mul3A_184 = arith.muli %mul3A_183, %get3A_181 : vector<16xi32>
      %add3A_185 = vector.broadcast %arg0 : i32 to vector<16xi32>
      %add3A_186 = arith.addi %mul3A_184, %add3A_185 : vector<16xi32>
      %swap3A_187 = arith.index_cast %scan3A_109 : i32 to index
      %swap3A_188 = arith.constant 80 : index
      %swap3A_189 = tpu.vector_load %arg7[%swap3A_187, %swap3A_188] {strides = array<i32>} : memref<40x128xi32, #tpu.memory_space<vmem>>, vector<1x16xi32>,
      %swap3A_190 = vector.shape_cast %swap3A_189 : vector<1x16xi32> to vector<16xi32>
      %swap3A_191 = vector.shape_cast %add3A_186 : vector<16xi32> to vector<1x16xi32>
      tpu.vector_store %arg7[%swap3A_187, %swap3A_188], %swap3A_191 {strides = array<i32>} : memref<40x128xi32, #tpu.memory_space<vmem>>, vector<1x16xi32>,
      %get3A_192 = arith.index_cast %scan3A_109 : i32 to index
      %get3A_193 = arith.constant 96 : index
      %get3A_194 = tpu.vector_load %arg7[%get3A_192, %get3A_193] {strides = array<i32>} : memref<40x128xi32, #tpu.memory_space<vmem>>, vector<1x16xi32>,
      %get3A_195 = vector.shape_cast %get3A_194 : vector<1x16xi32> to vector<16xi32>
      %mul3A_196 = arith.constant 2 : i32
      %mul3A_197 = vector.broadcast %mul3A_196 : i32 to vector<16xi32>
      %mul3A_198 = arith.muli %mul3A_197, %get3A_195 : vector<16xi32>
      %add3A_199 = vector.broadcast %arg0 : i32 to vector<16xi32>
      %add3A_200 = arith.addi %mul3A_198, %add3A_199 : vector<16xi32>
      %swap3A_201 = arith.index_cast %scan3A_109 : i32 to index
      %swap3A_202 = arith.constant 96 : index
      %swap3A_203 = tpu.vector_load %arg7[%swap3A_201, %swap3A_202] {strides = array<i32>} : memref<40x128xi32, #tpu.memory_space<vmem>>, vector<1x16xi32>,
      %swap3A_204 = vector.shape_cast %swap3A_203 : vector<1x16xi32> to vector<16xi32>
      %swap3A_205 = vector.shape_cast %add3A_200 : vector<16xi32> to vector<1x16xi32>
      tpu.vector_store %arg7[%swap3A_201, %swap3A_202], %swap3A_205 {strides = array<i32>} : memref<40x128xi32, #tpu.memory_space<vmem>>, vector<1x16xi32>,
      %get3A_206 = arith.index_cast %scan3A_109 : i32 to index
      %get3A_207 = arith.constant 112 : index
      %get3A_208 = tpu.vector_load %arg7[%get3A_206, %get3A_207] {strides = array<i32>} : memref<40x128xi32, #tpu.memory_space<vmem>>, vector<1x16xi32>,
      %get3A_209 = vector.shape_cast %get3A_208 : vector<1x16xi32> to vector<16xi32>
      %mul3A_210 = arith.constant 2 : i32
      %mul3A_211 = vector.broadcast %mul3A_210 : i32 to vector<16xi32>
      %mul3A_212 = arith.muli %mul3A_211, %get3A_209 : vector<16xi32>
      %add3A_213 = vector.broadcast %arg0 : i32 to vector<16xi32>
      %add3A_214 = arith.addi %mul3A_212, %add3A_213 : vector<16xi32>
      %swap3A_215 = arith.index_cast %scan3A_109 : i32 to index
      %swap3A_216 = arith.constant 112 : index
      %swap3A_217 = tpu.vector_load %arg7[%swap3A_215, %swap3A_216] {strides = array<i32>} : memref<40x128xi32, #tpu.memory_space<vmem>>, vector<1x16xi32>,
      %swap3A_218 = vector.shape_cast %swap3A_217 : vector<1x16xi32> to vector<16xi32>
      %swap3A_219 = vector.shape_cast %add3A_214 : vector<16xi32> to vector<1x16xi32>
      tpu.vector_store %arg7[%swap3A_215, %swap3A_216], %swap3A_219 {strides = array<i32>} : memref<40x128xi32, #tpu.memory_space<vmem>>, vector<1x16xi32>,
    }
    %scan3A_29 = arith.constant 40 : i32
    %dma_start3A = arith.constant 0 : i32
    %dma_start3A_30 = arith.constant 0 : i32
    %dma_start3A_31 = arith.constant 0 : i32
    %dma_start3A_32 = arith.constant 0 : i32
    %dma_start3A_33 = tpu.memref_slice %arg9[%dma_start3A_30, %dma_start3A_31, %dma_start3A_32] : memref<2x128x128xf32, #tpu.memory_space<vmem>> -> memref<1x64x128xf32, #tpu.memory_space<vmem>>
    %dma_start3A_34 = tpu.memref_squeeze %dma_start3A_33 : memref<1x64x128xf32, #tpu.memory_space<vmem>> -> memref<64x128xf32, #tpu.memory_space<vmem>>
    %dma_start3A_35 = arith.constant 0 : i32
    %dma_start3A_36 = tpu.memref_slice %arg7[%dma_start3A, %dma_start3A_35] : memref<40x128xi32, #tpu.memory_space<vmem>> -> memref<1x64xi32, #tpu.memory_space<vmem>>
    %dma_start3A_37 = tpu.memref_squeeze %dma_start3A_36 : memref<1x64xi32, #tpu.memory_space<vmem>> -> memref<64xi32, #tpu.memory_space<vmem>>
    %dma_start3A_38 = arith.constant 0 : i32
    %dma_start3A_39 = arith.constant 0 : i32
    %dma_start3A_40 = tpu.memref_slice %arg4[%dma_start3A_38, %dma_start3A_39] : memref<20000x128xf32, #tpu.memory_space<hbm>> -> memref<20000x128xf32, #tpu.memory_space<hbm>>
    tpu.enqueue_indirect_dma source(%dma_start3A_40 : memref<20000x128xf32, #tpu.memory_space<hbm>>) target(%dma_start3A_34 : memref<64x128xf32, #tpu.memory_space<vmem>>) offsets(%dma_start3A_37 : memref<64xi32, #tpu.memory_space<vmem>>) semaphore(%arg10 : memref<!tpu.dma_semaphore, #tpu.memory_space<semaphore_mem>>)
    %dma_start3A_41 = arith.constant 0 : i32
    %dma_start3A_42 = arith.constant 0 : i32
    %dma_start3A_43 = arith.constant 64 : i32
    %dma_start3A_44 = arith.constant 0 : i32
    %dma_start3A_45 = tpu.memref_slice %arg9[%dma_start3A_42, %dma_start3A_43, %dma_start3A_44] : memref<2x128x128xf32, #tpu.memory_space<vmem>> -> memref<1x64x128xf32, #tpu.memory_space<vmem>>
    %dma_start3A_46 = tpu.memref_squeeze %dma_start3A_45 : memref<1x64x128xf32, #tpu.memory_space<vmem>> -> memref<64x128xf32, #tpu.memory_space<vmem>>
    %dma_start3A_47 = arith.constant 64 : i32
    %dma_start3A_48 = tpu.memref_slice %arg7[%dma_start3A_41, %dma_start3A_47] : memref<40x128xi32, #tpu.memory_space<vmem>> -> memref<1x64xi32, #tpu.memory_space<vmem>>
    %dma_start3A_49 = tpu.memref_squeeze %dma_start3A_48 : memref<1x64xi32, #tpu.memory_space<vmem>> -> memref<64xi32, #tpu.memory_space<vmem>>
    %dma_start3A_50 = arith.constant 0 : i32
    %dma_start3A_51 = arith.constant 0 : i32
    %dma_start3A_52 = tpu.memref_slice %arg4[%dma_start3A_50, %dma_start3A_51] : memref<20000x128xf32, #tpu.memory_space<hbm>> -> memref<20000x128xf32, #tpu.memory_space<hbm>>
    tpu.enqueue_indirect_dma source(%dma_start3A_52 : memref<20000x128xf32, #tpu.memory_space<hbm>>) target(%dma_start3A_46 : memref<64x128xf32, #tpu.memory_space<vmem>>) offsets(%dma_start3A_49 : memref<64xi32, #tpu.memory_space<vmem>>) semaphore(%arg10 : memref<!tpu.dma_semaphore, #tpu.memory_space<semaphore_mem>>)
    %scan3A_53 = arith.constant 0 : i32
    %scan3A_54 = arith.constant 0 : i32
    %scan3A_55 = arith.constant 20 : i32
    %scan3A_56 = arith.addi %scan3A_54, %scan3A_55 : i32
    %scan3A_57 = arith.constant 1 : i32
    scf.for %scan3A_109 = %scan3A_54 to %scan3A_56 step %scan3A_57  : i32 {
      %mul3A_110 = arith.constant 2 : i32
      %mul3A_111 = arith.muli %mul3A_110, %scan3A_109 : i32
      %add3A_112 = arith.constant 0 : i32
      %add3A_113 = arith.addi %mul3A_111, %add3A_112 : i32
      %add3A_114 = arith.constant 1 : i32
      %add3A_115 = arith.addi %add3A_113, %add3A_114 : i32
      %lt3A_116 = arith.constant 40 : i32
      %lt3A_117 = arith.cmpi slt, %add3A_115, %lt3A_116 : i32
      %convert_element_type3A_118 = arith.extui %lt3A_117 : i1 to i32
      %cond3A_119 = arith.constant 0 : i32
      %cond3A_120 = arith.cmpi ne, %convert_element_type3A_118, %cond3A_119 : i32
      scf.if %cond3A_120 {
        %dma_start3A_177 = arith.constant 1 : i32
        %dma_start3A_178 = arith.constant 0 : i32
        %dma_start3A_179 = arith.constant 0 : i32
        %dma_start3A_180 = tpu.memref_slice %arg9[%dma_start3A_177, %dma_start3A_178, %dma_start3A_179] : memref<2x128x128xf32, #tpu.memory_space<vmem>> -> memref<1x64x128xf32, #tpu.memory_space<vmem>>
        %dma_start3A_181 = tpu.memref_squeeze %dma_start3A_180 : memref<1x64x128xf32, #tpu.memory_space<vmem>> -> memref<64x128xf32, #tpu.memory_space<vmem>>
        %dma_start3A_182 = arith.constant 0 : i32
        %dma_start3A_183 = tpu.memref_slice %arg7[%add3A_115, %dma_start3A_182] : memref<40x128xi32, #tpu.memory_space<vmem>> -> memref<1x64xi32, #tpu.memory_space<vmem>>
        %dma_start3A_184 = tpu.memref_squeeze %dma_start3A_183 : memref<1x64xi32, #tpu.memory_space<vmem>> -> memref<64xi32, #tpu.memory_space<vmem>>
        %dma_start3A_185 = arith.constant 0 : i32
        %dma_start3A_186 = arith.constant 0 : i32
        %dma_start3A_187 = tpu.memref_slice %arg4[%dma_start3A_185, %dma_start3A_186] : memref<20000x128xf32, #tpu.memory_space<hbm>> -> memref<20000x128xf32, #tpu.memory_space<hbm>>
        tpu.enqueue_indirect_dma source(%dma_start3A_187 : memref<20000x128xf32, #tpu.memory_space<hbm>>) target(%dma_start3A_181 : memref<64x128xf32, #tpu.memory_space<vmem>>) offsets(%dma_start3A_184 : memref<64xi32, #tpu.memory_space<vmem>>) semaphore(%arg11 : memref<!tpu.dma_semaphore, #tpu.memory_space<semaphore_mem>>)
        %dma_start3A_188 = arith.constant 1 : i32
        %dma_start3A_189 = arith.constant 64 : i32
        %dma_start3A_190 = arith.constant 0 : i32
        %dma_start3A_191 = tpu.memref_slice %arg9[%dma_start3A_188, %dma_start3A_189, %dma_start3A_190] : memref<2x128x128xf32, #tpu.memory_space<vmem>> -> memref<1x64x128xf32, #tpu.memory_space<vmem>>
        %dma_start3A_192 = tpu.memref_squeeze %dma_start3A_191 : memref<1x64x128xf32, #tpu.memory_space<vmem>> -> memref<64x128xf32, #tpu.memory_space<vmem>>
        %dma_start3A_193 = arith.constant 64 : i32
        %dma_start3A_194 = tpu.memref_slice %arg7[%add3A_115, %dma_start3A_193] : memref<40x128xi32, #tpu.memory_space<vmem>> -> memref<1x64xi32, #tpu.memory_space<vmem>>
        %dma_start3A_195 = tpu.memref_squeeze %dma_start3A_194 : memref<1x64xi32, #tpu.memory_space<vmem>> -> memref<64xi32, #tpu.memory_space<vmem>>
        %dma_start3A_196 = arith.constant 0 : i32
        %dma_start3A_197 = arith.constant 0 : i32
        %dma_start3A_198 = tpu.memref_slice %arg4[%dma_start3A_196, %dma_start3A_197] : memref<20000x128xf32, #tpu.memory_space<hbm>> -> memref<20000x128xf32, #tpu.memory_space<hbm>>
        tpu.enqueue_indirect_dma source(%dma_start3A_198 : memref<20000x128xf32, #tpu.memory_space<hbm>>) target(%dma_start3A_192 : memref<64x128xf32, #tpu.memory_space<vmem>>) offsets(%dma_start3A_195 : memref<64xi32, #tpu.memory_space<vmem>>) semaphore(%arg11 : memref<!tpu.dma_semaphore, #tpu.memory_space<semaphore_mem>>)
      } else {
      }
      %dma_wait3A = arith.constant 0 : i32
      %dma_wait3A_121 = arith.constant 0 : i32
      %dma_wait3A_122 = arith.constant 0 : i32
      %dma_wait3A_123 = tpu.memref_slice %arg9[%dma_wait3A, %dma_wait3A_121, %dma_wait3A_122] : memref<2x128x128xf32, #tpu.memory_space<vmem>> -> memref<1x64x128xf32, #tpu.memory_space<vmem>>
      %dma_wait3A_124 = tpu.memref_squeeze %dma_wait3A_123 : memref<1x64x128xf32, #tpu.memory_space<vmem>> -> memref<64x128xf32, #tpu.memory_space<vmem>>
      %dma_wait3A_125 = arith.constant 0 : i32
      %dma_wait3A_126 = tpu.memref_slice %arg7[%add3A_113, %dma_wait3A_125] : memref<40x128xi32, #tpu.memory_space<vmem>> -> memref<1x64xi32, #tpu.memory_space<vmem>>
      %dma_wait3A_127 = tpu.memref_squeeze %dma_wait3A_126 : memref<1x64xi32, #tpu.memory_space<vmem>> -> memref<64xi32, #tpu.memory_space<vmem>>
      %dma_wait3A_128 = arith.constant 0 : i32
      %dma_wait3A_129 = arith.constant 0 : i32
      %dma_wait3A_130 = tpu.memref_slice %arg4[%dma_wait3A_128, %dma_wait3A_129] : memref<20000x128xf32, #tpu.memory_space<hbm>> -> memref<20000x128xf32, #tpu.memory_space<hbm>>
      tpu.wait_indirect_dma semaphore(%arg10 : memref<!tpu.dma_semaphore, #tpu.memory_space<semaphore_mem>>) src(%dma_wait3A_130 : memref<20000x128xf32, #tpu.memory_space<hbm>>) dst(%dma_wait3A_124 : memref<64x128xf32, #tpu.memory_space<vmem>>)
      %dma_wait3A_131 = arith.constant 0 : i32
      %dma_wait3A_132 = arith.constant 64 : i32
      %dma_wait3A_133 = arith.constant 0 : i32
      %dma_wait3A_134 = tpu.memref_slice %arg9[%dma_wait3A_131, %dma_wait3A_132, %dma_wait3A_133] : memref<2x128x128xf32, #tpu.memory_space<vmem>> -> memref<1x64x128xf32, #tpu.memory_space<vmem>>
      %dma_wait3A_135 = tpu.memref_squeeze %dma_wait3A_134 : memref<1x64x128xf32, #tpu.memory_space<vmem>> -> memref<64x128xf32, #tpu.memory_space<vmem>>
      %dma_wait3A_136 = arith.constant 64 : i32
      %dma_wait3A_137 = tpu.memref_slice %arg7[%add3A_113, %dma_wait3A_136] : memref<40x128xi32, #tpu.memory_space<vmem>> -> memref<1x64xi32, #tpu.memory_space<vmem>>
      %dma_wait3A_138 = tpu.memref_squeeze %dma_wait3A_137 : memref<1x64xi32, #tpu.memory_space<vmem>> -> memref<64xi32, #tpu.memory_space<vmem>>
      %dma_wait3A_139 = arith.constant 0 : i32
      %dma_wait3A_140 = arith.constant 0 : i32
      %dma_wait3A_141 = tpu.memref_slice %arg4[%dma_wait3A_139, %dma_wait3A_140] : memref<20000x128xf32, #tpu.memory_space<hbm>> -> memref<20000x128xf32, #tpu.memory_space<hbm>>
      tpu.wait_indirect_dma semaphore(%arg10 : memref<!tpu.dma_semaphore, #tpu.memory_space<semaphore_mem>>) src(%dma_wait3A_141 : memref<20000x128xf32, #tpu.memory_space<hbm>>) dst(%dma_wait3A_135 : memref<64x128xf32, #tpu.memory_space<vmem>>)
      %run_scoped3A_142 = arith.constant 0 : i32
      "tpu.region"() ({
        %run_scoped3A_177 = tpu.sem_alloc : memref<!tpu.dma_semaphore, #tpu.memory_space<semaphore_mem>>
        %dma_start3A_178 = arith.constant 0 : i32
        %dma_start3A_179 = arith.constant 0 : i32
        %dma_start3A_180 = tpu.memref_slice %arg9[%run_scoped3A_142, %dma_start3A_178, %dma_start3A_179] : memref<2x128x128xf32, #tpu.memory_space<vmem>> -> memref<1x128x128xf32, #tpu.memory_space<vmem>>
        %dma_start3A_181 = tpu.memref_squeeze %dma_start3A_180 : memref<1x128x128xf32, #tpu.memory_space<vmem>> -> memref<128x128xf32, #tpu.memory_space<vmem>>
        %dma_start3A_182 = arith.constant 0 : i32
        %dma_start3A_183 = tpu.memref_slice %arg8[%add3A_113, %dma_start3A_182] : memref<40x128xi32, #tpu.memory_space<vmem>> -> memref<1x128xi32, #tpu.memory_space<vmem>>
        %dma_start3A_184 = tpu.memref_squeeze %dma_start3A_183 : memref<1x128xi32, #tpu.memory_space<vmem>> -> memref<128xi32, #tpu.memory_space<vmem>>
        %dma_start3A_185 = arith.constant 0 : i32
        %dma_start3A_186 = arith.constant 0 : i32
        %dma_start3A_187 = tpu.memref_slice %arg6[%dma_start3A_185, %dma_start3A_186] : memref<10240x128xf32, #tpu.memory_space<vmem_shared>> -> memref<10240x128xf32, #tpu.memory_space<vmem_shared>>
        tpu.enqueue_indirect_dma source(%dma_start3A_181 : memref<128x128xf32, #tpu.memory_space<vmem>>) target(%dma_start3A_187 : memref<10240x128xf32, #tpu.memory_space<vmem_shared>>) offsets(%dma_start3A_184 : memref<128xi32, #tpu.memory_space<vmem>>) semaphore(%run_scoped3A_177 : memref<!tpu.dma_semaphore, #tpu.memory_space<semaphore_mem>>) {add = true}
        %dma_wait3A_188 = arith.constant 0 : i32
        %dma_wait3A_189 = arith.constant 0 : i32
        %dma_wait3A_190 = tpu.memref_slice %arg9[%run_scoped3A_142, %dma_wait3A_188, %dma_wait3A_189] : memref<2x128x128xf32, #tpu.memory_space<vmem>> -> memref<1x128x128xf32, #tpu.memory_space<vmem>>
        %dma_wait3A_191 = tpu.memref_squeeze %dma_wait3A_190 : memref<1x128x128xf32, #tpu.memory_space<vmem>> -> memref<128x128xf32, #tpu.memory_space<vmem>>
        %dma_wait3A_192 = arith.constant 0 : i32
        %dma_wait3A_193 = tpu.memref_slice %arg8[%add3A_113, %dma_wait3A_192] : memref<40x128xi32, #tpu.memory_space<vmem>> -> memref<1x128xi32, #tpu.memory_space<vmem>>
        %dma_wait3A_194 = tpu.memref_squeeze %dma_wait3A_193 : memref<1x128xi32, #tpu.memory_space<vmem>> -> memref<128xi32, #tpu.memory_space<vmem>>
        %dma_wait3A_195 = arith.constant 0 : i32
        %dma_wait3A_196 = arith.constant 0 : i32
        %dma_wait3A_197 = tpu.memref_slice %arg6[%dma_wait3A_195, %dma_wait3A_196] : memref<10240x128xf32, #tpu.memory_space<vmem_shared>> -> memref<10240x128xf32, #tpu.memory_space<vmem_shared>>
        tpu.wait_indirect_dma semaphore(%run_scoped3A_177 : memref<!tpu.dma_semaphore, #tpu.memory_space<semaphore_mem>>) src(%dma_wait3A_191 : memref<128x128xf32, #tpu.memory_space<vmem>>) dst(%dma_wait3A_197 : memref<10240x128xf32, #tpu.memory_space<vmem_shared>>)
        tpu.yield
      }) : () -> ()
      %mul3A_143 = arith.constant 2 : i32
      %mul3A_144 = arith.muli %mul3A_143, %scan3A_109 : i32
      %add3A_145 = arith.constant 1 : i32
      %add3A_146 = arith.addi %mul3A_144, %add3A_145 : i32
      %add3A_147 = arith.constant 1 : i32
      %add3A_148 = arith.addi %add3A_146, %add3A_147 : i32
      %lt3A_149 = arith.constant 40 : i32
      %lt3A_150 = arith.cmpi slt, %add3A_148, %lt3A_149 : i32
      %convert_element_type3A_151 = arith.extui %lt3A_150 : i1 to i32
      %cond3A_152 = arith.constant 0 : i32
      %cond3A_153 = arith.cmpi ne, %convert_element_type3A_151, %cond3A_152 : i32
      scf.if %cond3A_153 {
        %dma_start3A_177 = arith.constant 0 : i32
        %dma_start3A_178 = arith.constant 0 : i32
        %dma_start3A_179 = arith.constant 0 : i32
        %dma_start3A_180 = tpu.memref_slice %arg9[%dma_start3A_177, %dma_start3A_178, %dma_start3A_179] : memref<2x128x128xf32, #tpu.memory_space<vmem>> -> memref<1x64x128xf32, #tpu.memory_space<vmem>>
        %dma_start3A_181 = tpu.memref_squeeze %dma_start3A_180 : memref<1x64x128xf32, #tpu.memory_space<vmem>> -> memref<64x128xf32, #tpu.memory_space<vmem>>
        %dma_start3A_182 = arith.constant 0 : i32
        %dma_start3A_183 = tpu.memref_slice %arg7[%add3A_148, %dma_start3A_182] : memref<40x128xi32, #tpu.memory_space<vmem>> -> memref<1x64xi32, #tpu.memory_space<vmem>>
        %dma_start3A_184 = tpu.memref_squeeze %dma_start3A_183 : memref<1x64xi32, #tpu.memory_space<vmem>> -> memref<64xi32, #tpu.memory_space<vmem>>
        %dma_start3A_185 = arith.constant 0 : i32
        %dma_start3A_186 = arith.constant 0 : i32
        %dma_start3A_187 = tpu.memref_slice %arg4[%dma_start3A_185, %dma_start3A_186] : memref<20000x128xf32, #tpu.memory_space<hbm>> -> memref<20000x128xf32, #tpu.memory_space<hbm>>
        tpu.enqueue_indirect_dma source(%dma_start3A_187 : memref<20000x128xf32, #tpu.memory_space<hbm>>) target(%dma_start3A_181 : memref<64x128xf32, #tpu.memory_space<vmem>>) offsets(%dma_start3A_184 : memref<64xi32, #tpu.memory_space<vmem>>) semaphore(%arg10 : memref<!tpu.dma_semaphore, #tpu.memory_space<semaphore_mem>>)
        %dma_start3A_188 = arith.constant 0 : i32
        %dma_start3A_189 = arith.constant 64 : i32
        %dma_start3A_190 = arith.constant 0 : i32
        %dma_start3A_191 = tpu.memref_slice %arg9[%dma_start3A_188, %dma_start3A_189, %dma_start3A_190] : memref<2x128x128xf32, #tpu.memory_space<vmem>> -> memref<1x64x128xf32, #tpu.memory_space<vmem>>
        %dma_start3A_192 = tpu.memref_squeeze %dma_start3A_191 : memref<1x64x128xf32, #tpu.memory_space<vmem>> -> memref<64x128xf32, #tpu.memory_space<vmem>>
        %dma_start3A_193 = arith.constant 64 : i32
        %dma_start3A_194 = tpu.memref_slice %arg7[%add3A_148, %dma_start3A_193] : memref<40x128xi32, #tpu.memory_space<vmem>> -> memref<1x64xi32, #tpu.memory_space<vmem>>
        %dma_start3A_195 = tpu.memref_squeeze %dma_start3A_194 : memref<1x64xi32, #tpu.memory_space<vmem>> -> memref<64xi32, #tpu.memory_space<vmem>>
        %dma_start3A_196 = arith.constant 0 : i32
        %dma_start3A_197 = arith.constant 0 : i32
        %dma_start3A_198 = tpu.memref_slice %arg4[%dma_start3A_196, %dma_start3A_197] : memref<20000x128xf32, #tpu.memory_space<hbm>> -> memref<20000x128xf32, #tpu.memory_space<hbm>>
        tpu.enqueue_indirect_dma source(%dma_start3A_198 : memref<20000x128xf32, #tpu.memory_space<hbm>>) target(%dma_start3A_192 : memref<64x128xf32, #tpu.memory_space<vmem>>) offsets(%dma_start3A_195 : memref<64xi32, #tpu.memory_space<vmem>>) semaphore(%arg10 : memref<!tpu.dma_semaphore, #tpu.memory_space<semaphore_mem>>)
      } else {
      }
      %dma_wait3A_154 = arith.constant 1 : i32
      %dma_wait3A_155 = arith.constant 0 : i32
      %dma_wait3A_156 = arith.constant 0 : i32
      %dma_wait3A_157 = tpu.memref_slice %arg9[%dma_wait3A_154, %dma_wait3A_155, %dma_wait3A_156] : memref<2x128x128xf32, #tpu.memory_space<vmem>> -> memref<1x64x128xf32, #tpu.memory_space<vmem>>
      %dma_wait3A_158 = tpu.memref_squeeze %dma_wait3A_157 : memref<1x64x128xf32, #tpu.memory_space<vmem>> -> memref<64x128xf32, #tpu.memory_space<vmem>>
      %dma_wait3A_159 = arith.constant 0 : i32
      %dma_wait3A_160 = tpu.memref_slice %arg7[%add3A_146, %dma_wait3A_159] : memref<40x128xi32, #tpu.memory_space<vmem>> -> memref<1x64xi32, #tpu.memory_space<vmem>>
      %dma_wait3A_161 = tpu.memref_squeeze %dma_wait3A_160 : memref<1x64xi32, #tpu.memory_space<vmem>> -> memref<64xi32, #tpu.memory_space<vmem>>
      %dma_wait3A_162 = arith.constant 0 : i32
      %dma_wait3A_163 = arith.constant 0 : i32
      %dma_wait3A_164 = tpu.memref_slice %arg4[%dma_wait3A_162, %dma_wait3A_163] : memref<20000x128xf32, #tpu.memory_space<hbm>> -> memref<20000x128xf32, #tpu.memory_space<hbm>>
      tpu.wait_indirect_dma semaphore(%arg11 : memref<!tpu.dma_semaphore, #tpu.memory_space<semaphore_mem>>) src(%dma_wait3A_164 : memref<20000x128xf32, #tpu.memory_space<hbm>>) dst(%dma_wait3A_158 : memref<64x128xf32, #tpu.memory_space<vmem>>)
      %dma_wait3A_165 = arith.constant 1 : i32
      %dma_wait3A_166 = arith.constant 64 : i32
      %dma_wait3A_167 = arith.constant 0 : i32
      %dma_wait3A_168 = tpu.memref_slice %arg9[%dma_wait3A_165, %dma_wait3A_166, %dma_wait3A_167] : memref<2x128x128xf32, #tpu.memory_space<vmem>> -> memref<1x64x128xf32, #tpu.memory_space<vmem>>
      %dma_wait3A_169 = tpu.memref_squeeze %dma_wait3A_168 : memref<1x64x128xf32, #tpu.memory_space<vmem>> -> memref<64x128xf32, #tpu.memory_space<vmem>>
      %dma_wait3A_170 = arith.constant 64 : i32
      %dma_wait3A_171 = tpu.memref_slice %arg7[%add3A_146, %dma_wait3A_170] : memref<40x128xi32, #tpu.memory_space<vmem>> -> memref<1x64xi32, #tpu.memory_space<vmem>>
      %dma_wait3A_172 = tpu.memref_squeeze %dma_wait3A_171 : memref<1x64xi32, #tpu.memory_space<vmem>> -> memref<64xi32, #tpu.memory_space<vmem>>
      %dma_wait3A_173 = arith.constant 0 : i32
      %dma_wait3A_174 = arith.constant 0 : i32
      %dma_wait3A_175 = tpu.memref_slice %arg4[%dma_wait3A_173, %dma_wait3A_174] : memref<20000x128xf32, #tpu.memory_space<hbm>> -> memref<20000x128xf32, #tpu.memory_space<hbm>>
      tpu.wait_indirect_dma semaphore(%arg11 : memref<!tpu.dma_semaphore, #tpu.memory_space<semaphore_mem>>) src(%dma_wait3A_175 : memref<20000x128xf32, #tpu.memory_space<hbm>>) dst(%dma_wait3A_169 : memref<64x128xf32, #tpu.memory_space<vmem>>)
      %run_scoped3A_176 = arith.constant 1 : i32
      "tpu.region"() ({
        %run_scoped3A_177 = tpu.sem_alloc : memref<!tpu.dma_semaphore, #tpu.memory_space<semaphore_mem>>
        %dma_start3A_178 = arith.constant 0 : i32
        %dma_start3A_179 = arith.constant 0 : i32
        %dma_start3A_180 = tpu.memref_slice %arg9[%run_scoped3A_176, %dma_start3A_178, %dma_start3A_179] : memref<2x128x128xf32, #tpu.memory_space<vmem>> -> memref<1x128x128xf32, #tpu.memory_space<vmem>>
        %dma_start3A_181 = tpu.memref_squeeze %dma_start3A_180 : memref<1x128x128xf32, #tpu.memory_space<vmem>> -> memref<128x128xf32, #tpu.memory_space<vmem>>
        %dma_start3A_182 = arith.constant 0 : i32
        %dma_start3A_183 = tpu.memref_slice %arg8[%add3A_146, %dma_start3A_182] : memref<40x128xi32, #tpu.memory_space<vmem>> -> memref<1x128xi32, #tpu.memory_space<vmem>>
        %dma_start3A_184 = tpu.memref_squeeze %dma_start3A_183 : memref<1x128xi32, #tpu.memory_space<vmem>> -> memref<128xi32, #tpu.memory_space<vmem>>
        %dma_start3A_185 = arith.constant 0 : i32
        %dma_start3A_186 = arith.constant 0 : i32
        %dma_start3A_187 = tpu.memref_slice %arg6[%dma_start3A_185, %dma_start3A_186] : memref<10240x128xf32, #tpu.memory_space<vmem_shared>> -> memref<10240x128xf32, #tpu.memory_space<vmem_shared>>
        tpu.enqueue_indirect_dma source(%dma_start3A_181 : memref<128x128xf32, #tpu.memory_space<vmem>>) target(%dma_start3A_187 : memref<10240x128xf32, #tpu.memory_space<vmem_shared>>) offsets(%dma_start3A_184 : memref<128xi32, #tpu.memory_space<vmem>>) semaphore(%run_scoped3A_177 : memref<!tpu.dma_semaphore, #tpu.memory_space<semaphore_mem>>) {add = true}
        %dma_wait3A_188 = arith.constant 0 : i32
        %dma_wait3A_189 = arith.constant 0 : i32
        %dma_wait3A_190 = tpu.memref_slice %arg9[%run_scoped3A_176, %dma_wait3A_188, %dma_wait3A_189] : memref<2x128x128xf32, #tpu.memory_space<vmem>> -> memref<1x128x128xf32, #tpu.memory_space<vmem>>
        %dma_wait3A_191 = tpu.memref_squeeze %dma_wait3A_190 : memref<1x128x128xf32, #tpu.memory_space<vmem>> -> memref<128x128xf32, #tpu.memory_space<vmem>>
        %dma_wait3A_192 = arith.constant 0 : i32
        %dma_wait3A_193 = tpu.memref_slice %arg8[%add3A_146, %dma_wait3A_192] : memref<40x128xi32, #tpu.memory_space<vmem>> -> memref<1x128xi32, #tpu.memory_space<vmem>>
        %dma_wait3A_194 = tpu.memref_squeeze %dma_wait3A_193 : memref<1x128xi32, #tpu.memory_space<vmem>> -> memref<128xi32, #tpu.memory_space<vmem>>
        %dma_wait3A_195 = arith.constant 0 : i32
        %dma_wait3A_196 = arith.constant 0 : i32
        %dma_wait3A_197 = tpu.memref_slice %arg6[%dma_wait3A_195, %dma_wait3A_196] : memref<10240x128xf32, #tpu.memory_space<vmem_shared>> -> memref<10240x128xf32, #tpu.memory_space<vmem_shared>>
        tpu.wait_indirect_dma semaphore(%run_scoped3A_177 : memref<!tpu.dma_semaphore, #tpu.memory_space<semaphore_mem>>) src(%dma_wait3A_191 : memref<128x128xf32, #tpu.memory_space<vmem>>) dst(%dma_wait3A_197 : memref<10240x128xf32, #tpu.memory_space<vmem_shared>>)
        tpu.yield
      }) : () -> ()
    }
    %scan3A_58 = arith.constant 20 : i32
    %add3A_59 = arith.constant 40 : i32
    %add3A_60 = arith.addi %mul3A_0, %add3A_59 : i32
    "tpu.region"() ({
      %run_scoped3A_109 = tpu.sem_alloc : memref<!tpu.dma_semaphore, #tpu.memory_space<semaphore_mem>>
      %dma_start3A_110 = arith.constant 0 : i32
      %dma_start3A_111 = tpu.memref_slice %arg2[%add3A_60, %dma_start3A_110] : memref<1280x128xi32, #tpu.memory_space<hbm>> -> memref<40x128xi32, #tpu.memory_space<hbm>>
      %dma_start3A_112 = arith.constant 0 : i32
      %dma_start3A_113 = tpu.memref_slice %arg2[%add3A_60, %dma_start3A_112] : memref<1280x128xi32, #tpu.memory_space<hbm>> -> memref<40x128xi32, #tpu.memory_space<hbm>>
      tpu.enqueue_dma source(%dma_start3A_113 : memref<40x128xi32, #tpu.memory_space<hbm>>) target(%arg7 : memref<40x128xi32, #tpu.memory_space<vmem>>) target_semaphore(%run_scoped3A_109 : memref<!tpu.dma_semaphore, #tpu.memory_space<semaphore_mem>>)
      %dma_wait3A = arith.constant 0 : i32
      %dma_wait3A_114 = tpu.memref_slice %arg2[%add3A_60, %dma_wait3A] : memref<1280x128xi32, #tpu.memory_space<hbm>> -> memref<40x128xi32, #tpu.memory_space<hbm>>
      %dma_wait3A_115 = arith.constant 0 : i32
      %dma_wait3A_116 = tpu.memref_slice %arg2[%add3A_60, %dma_wait3A_115] : memref<1280x128xi32, #tpu.memory_space<hbm>> -> memref<40x128xi32, #tpu.memory_space<hbm>>
      tpu.wait_dma2 semaphore(%run_scoped3A_109 : memref<!tpu.dma_semaphore, #tpu.memory_space<semaphore_mem>>) src(%dma_wait3A_116 : memref<40x128xi32, #tpu.memory_space<hbm>>) dst(%arg7 : memref<40x128xi32, #tpu.memory_space<vmem>>)
      tpu.yield
    }) : () -> ()
    "tpu.region"() ({
      %run_scoped3A_109 = tpu.sem_alloc : memref<!tpu.dma_semaphore, #tpu.memory_space<semaphore_mem>>
      %dma_start3A_110 = arith.constant 0 : i32
      %dma_start3A_111 = tpu.memref_slice %arg3[%add3A_60, %dma_start3A_110] : memref<1280x128xi32, #tpu.memory_space<hbm>> -> memref<40x128xi32, #tpu.memory_space<hbm>>
      %dma_start3A_112 = arith.constant 0 : i32
      %dma_start3A_113 = tpu.memref_slice %arg3[%add3A_60, %dma_start3A_112] : memref<1280x128xi32, #tpu.memory_space<hbm>> -> memref<40x128xi32, #tpu.memory_space<hbm>>
      tpu.enqueue_dma source(%dma_start3A_113 : memref<40x128xi32, #tpu.memory_space<hbm>>) target(%arg8 : memref<40x128xi32, #tpu.memory_space<vmem>>) target_semaphore(%run_scoped3A_109 : memref<!tpu.dma_semaphore, #tpu.memory_space<semaphore_mem>>)
      %dma_wait3A = arith.constant 0 : i32
      %dma_wait3A_114 = tpu.memref_slice %arg3[%add3A_60, %dma_wait3A] : memref<1280x128xi32, #tpu.memory_space<hbm>> -> memref<40x128xi32, #tpu.memory_space<hbm>>
      %dma_wait3A_115 = arith.constant 0 : i32
      %dma_wait3A_116 = tpu.memref_slice %arg3[%add3A_60, %dma_wait3A_115] : memref<1280x128xi32, #tpu.memory_space<hbm>> -> memref<40x128xi32, #tpu.memory_space<hbm>>
      tpu.wait_dma2 semaphore(%run_scoped3A_109 : memref<!tpu.dma_semaphore, #tpu.memory_space<semaphore_mem>>) src(%dma_wait3A_116 : memref<40x128xi32, #tpu.memory_space<hbm>>) dst(%arg8 : memref<40x128xi32, #tpu.memory_space<vmem>>)
      tpu.yield
    }) : () -> ()
    %scan3A_61 = arith.constant 0 : i32
    %scan3A_62 = arith.constant 0 : i32
    %scan3A_63 = arith.constant 40 : i32
    %scan3A_64 = arith.addi %scan3A_62, %scan3A_63 : i32
    %scan3A_65 = arith.constant 1 : i32
    scf.for %scan3A_109 = %scan3A_62 to %scan3A_64 step %scan3A_65  : i32 {
      %get3A = arith.index_cast %scan3A_109 : i32 to index
      %get3A_110 = arith.constant 0 : index
      %get3A_111 = tpu.vector_load %arg7[%get3A, %get3A_110] {strides = array<i32>} : memref<40x128xi32, #tpu.memory_space<vmem>>, vector<1x16xi32>,
      %get3A_112 = vector.shape_cast %get3A_111 : vector<1x16xi32> to vector<16xi32>
      %mul3A_113 = arith.constant 2 : i32
      %mul3A_114 = vector.broadcast %mul3A_113 : i32 to vector<16xi32>
      %mul3A_115 = arith.muli %mul3A_114, %get3A_112 : vector<16xi32>
      %add3A_116 = vector.broadcast %arg0 : i32 to vector<16xi32>
      %add3A_117 = arith.addi %mul3A_115, %add3A_116 : vector<16xi32>
      %swap3A = arith.index_cast %scan3A_109 : i32 to index
      %swap3A_118 = arith.constant 0 : index
      %swap3A_119 = tpu.vector_load %arg7[%swap3A, %swap3A_118] {strides = array<i32>} : memref<40x128xi32, #tpu.memory_space<vmem>>, vector<1x16xi32>,
      %swap3A_120 = vector.shape_cast %swap3A_119 : vector<1x16xi32> to vector<16xi32>
      %swap3A_121 = vector.shape_cast %add3A_117 : vector<16xi32> to vector<1x16xi32>
      tpu.vector_store %arg7[%swap3A, %swap3A_118], %swap3A_121 {strides = array<i32>} : memref<40x128xi32, #tpu.memory_space<vmem>>, vector<1x16xi32>,
      %get3A_122 = arith.index_cast %scan3A_109 : i32 to index
      %get3A_123 = arith.constant 16 : index
      %get3A_124 = tpu.vector_load %arg7[%get3A_122, %get3A_123] {strides = array<i32>} : memref<40x128xi32, #tpu.memory_space<vmem>>, vector<1x16xi32>,
      %get3A_125 = vector.shape_cast %get3A_124 : vector<1x16xi32> to vector<16xi32>
      %mul3A_126 = arith.constant 2 : i32
      %mul3A_127 = vector.broadcast %mul3A_126 : i32 to vector<16xi32>
      %mul3A_128 = arith.muli %mul3A_127, %get3A_125 : vector<16xi32>
      %add3A_129 = vector.broadcast %arg0 : i32 to vector<16xi32>
      %add3A_130 = arith.addi %mul3A_128, %add3A_129 : vector<16xi32>
      %swap3A_131 = arith.index_cast %scan3A_109 : i32 to index
      %swap3A_132 = arith.constant 16 : index
      %swap3A_133 = tpu.vector_load %arg7[%swap3A_131, %swap3A_132] {strides = array<i32>} : memref<40x128xi32, #tpu.memory_space<vmem>>, vector<1x16xi32>,
      %swap3A_134 = vector.shape_cast %swap3A_133 : vector<1x16xi32> to vector<16xi32>
      %swap3A_135 = vector.shape_cast %add3A_130 : vector<16xi32> to vector<1x16xi32>
      tpu.vector_store %arg7[%swap3A_131, %swap3A_132], %swap3A_135 {strides = array<i32>} : memref<40x128xi32, #tpu.memory_space<vmem>>, vector<1x16xi32>,
      %get3A_136 = arith.index_cast %scan3A_109 : i32 to index
      %get3A_137 = arith.constant 32 : index
      %get3A_138 = tpu.vector_load %arg7[%get3A_136, %get3A_137] {strides = array<i32>} : memref<40x128xi32, #tpu.memory_space<vmem>>, vector<1x16xi32>,
      %get3A_139 = vector.shape_cast %get3A_138 : vector<1x16xi32> to vector<16xi32>
      %mul3A_140 = arith.constant 2 : i32
      %mul3A_141 = vector.broadcast %mul3A_140 : i32 to vector<16xi32>
      %mul3A_142 = arith.muli %mul3A_141, %get3A_139 : vector<16xi32>
      %add3A_143 = vector.broadcast %arg0 : i32 to vector<16xi32>
      %add3A_144 = arith.addi %mul3A_142, %add3A_143 : vector<16xi32>
      %swap3A_145 = arith.index_cast %scan3A_109 : i32 to index
      %swap3A_146 = arith.constant 32 : index
      %swap3A_147 = tpu.vector_load %arg7[%swap3A_145, %swap3A_146] {strides = array<i32>} : memref<40x128xi32, #tpu.memory_space<vmem>>, vector<1x16xi32>,
      %swap3A_148 = vector.shape_cast %swap3A_147 : vector<1x16xi32> to vector<16xi32>
      %swap3A_149 = vector.shape_cast %add3A_144 : vector<16xi32> to vector<1x16xi32>
      tpu.vector_store %arg7[%swap3A_145, %swap3A_146], %swap3A_149 {strides = array<i32>} : memref<40x128xi32, #tpu.memory_space<vmem>>, vector<1x16xi32>,
      %get3A_150 = arith.index_cast %scan3A_109 : i32 to index
      %get3A_151 = arith.constant 48 : index
      %get3A_152 = tpu.vector_load %arg7[%get3A_150, %get3A_151] {strides = array<i32>} : memref<40x128xi32, #tpu.memory_space<vmem>>, vector<1x16xi32>,
      %get3A_153 = vector.shape_cast %get3A_152 : vector<1x16xi32> to vector<16xi32>
      %mul3A_154 = arith.constant 2 : i32
      %mul3A_155 = vector.broadcast %mul3A_154 : i32 to vector<16xi32>
      %mul3A_156 = arith.muli %mul3A_155, %get3A_153 : vector<16xi32>
      %add3A_157 = vector.broadcast %arg0 : i32 to vector<16xi32>
      %add3A_158 = arith.addi %mul3A_156, %add3A_157 : vector<16xi32>
      %swap3A_159 = arith.index_cast %scan3A_109 : i32 to index
      %swap3A_160 = arith.constant 48 : index
      %swap3A_161 = tpu.vector_load %arg7[%swap3A_159, %swap3A_160] {strides = array<i32>} : memref<40x128xi32, #tpu.memory_space<vmem>>, vector<1x16xi32>,
      %swap3A_162 = vector.shape_cast %swap3A_161 : vector<1x16xi32> to vector<16xi32>
      %swap3A_163 = vector.shape_cast %add3A_158 : vector<16xi32> to vector<1x16xi32>
      tpu.vector_store %arg7[%swap3A_159, %swap3A_160], %swap3A_163 {strides = array<i32>} : memref<40x128xi32, #tpu.memory_space<vmem>>, vector<1x16xi32>,
      %get3A_164 = arith.index_cast %scan3A_109 : i32 to index
      %get3A_165 = arith.constant 64 : index
      %get3A_166 = tpu.vector_load %arg7[%get3A_164, %get3A_165] {strides = array<i32>} : memref<40x128xi32, #tpu.memory_space<vmem>>, vector<1x16xi32>,
      %get3A_167 = vector.shape_cast %get3A_166 : vector<1x16xi32> to vector<16xi32>
      %mul3A_168 = arith.constant 2 : i32
      %mul3A_169 = vector.broadcast %mul3A_168 : i32 to vector<16xi32>
      %mul3A_170 = arith.muli %mul3A_169, %get3A_167 : vector<16xi32>
      %add3A_171 = vector.broadcast %arg0 : i32 to vector<16xi32>
      %add3A_172 = arith.addi %mul3A_170, %add3A_171 : vector<16xi32>
      %swap3A_173 = arith.index_cast %scan3A_109 : i32 to index
      %swap3A_174 = arith.constant 64 : index
      %swap3A_175 = tpu.vector_load %arg7[%swap3A_173, %swap3A_174] {strides = array<i32>} : memref<40x128xi32, #tpu.memory_space<vmem>>, vector<1x16xi32>,
      %swap3A_176 = vector.shape_cast %swap3A_175 : vector<1x16xi32> to vector<16xi32>
      %swap3A_177 = vector.shape_cast %add3A_172 : vector<16xi32> to vector<1x16xi32>
      tpu.vector_store %arg7[%swap3A_173, %swap3A_174], %swap3A_177 {strides = array<i32>} : memref<40x128xi32, #tpu.memory_space<vmem>>, vector<1x16xi32>,
      %get3A_178 = arith.index_cast %scan3A_109 : i32 to index
      %get3A_179 = arith.constant 80 : index
      %get3A_180 = tpu.vector_load %arg7[%get3A_178, %get3A_179] {strides = array<i32>} : memref<40x128xi32, #tpu.memory_space<vmem>>, vector<1x16xi32>,
      %get3A_181 = vector.shape_cast %get3A_180 : vector<1x16xi32> to vector<16xi32>
      %mul3A_182 = arith.constant 2 : i32
      %mul3A_183 = vector.broadcast %mul3A_182 : i32 to vector<16xi32>
      %mul3A_184 = arith.muli %mul3A_183, %get3A_181 : vector<16xi32>
      %add3A_185 = vector.broadcast %arg0 : i32 to vector<16xi32>
      %add3A_186 = arith.addi %mul3A_184, %add3A_185 : vector<16xi32>
      %swap3A_187 = arith.index_cast %scan3A_109 : i32 to index
      %swap3A_188 = arith.constant 80 : index
      %swap3A_189 = tpu.vector_load %arg7[%swap3A_187, %swap3A_188] {strides = array<i32>} : memref<40x128xi32, #tpu.memory_space<vmem>>, vector<1x16xi32>,
      %swap3A_190 = vector.shape_cast %swap3A_189 : vector<1x16xi32> to vector<16xi32>
      %swap3A_191 = vector.shape_cast %add3A_186 : vector<16xi32> to vector<1x16xi32>
      tpu.vector_store %arg7[%swap3A_187, %swap3A_188], %swap3A_191 {strides = array<i32>} : memref<40x128xi32, #tpu.memory_space<vmem>>, vector<1x16xi32>,
      %get3A_192 = arith.index_cast %scan3A_109 : i32 to index
      %get3A_193 = arith.constant 96 : index
      %get3A_194 = tpu.vector_load %arg7[%get3A_192, %get3A_193] {strides = array<i32>} : memref<40x128xi32, #tpu.memory_space<vmem>>, vector<1x16xi32>,
      %get3A_195 = vector.shape_cast %get3A_194 : vector<1x16xi32> to vector<16xi32>
      %mul3A_196 = arith.constant 2 : i32
      %mul3A_197 = vector.broadcast %mul3A_196 : i32 to vector<16xi32>
      %mul3A_198 = arith.muli %mul3A_197, %get3A_195 : vector<16xi32>
      %add3A_199 = vector.broadcast %arg0 : i32 to vector<16xi32>
      %add3A_200 = arith.addi %mul3A_198, %add3A_199 : vector<16xi32>
      %swap3A_201 = arith.index_cast %scan3A_109 : i32 to index
      %swap3A_202 = arith.constant 96 : index
      %swap3A_203 = tpu.vector_load %arg7[%swap3A_201, %swap3A_202] {strides = array<i32>} : memref<40x128xi32, #tpu.memory_space<vmem>>, vector<1x16xi32>,
      %swap3A_204 = vector.shape_cast %swap3A_203 : vector<1x16xi32> to vector<16xi32>
      %swap3A_205 = vector.shape_cast %add3A_200 : vector<16xi32> to vector<1x16xi32>
      tpu.vector_store %arg7[%swap3A_201, %swap3A_202], %swap3A_205 {strides = array<i32>} : memref<40x128xi32, #tpu.memory_space<vmem>>, vector<1x16xi32>,
      %get3A_206 = arith.index_cast %scan3A_109 : i32 to index
      %get3A_207 = arith.constant 112 : index
      %get3A_208 = tpu.vector_load %arg7[%get3A_206, %get3A_207] {strides = array<i32>} : memref<40x128xi32, #tpu.memory_space<vmem>>, vector<1x16xi32>,
      %get3A_209 = vector.shape_cast %get3A_208 : vector<1x16xi32> to vector<16xi32>
      %mul3A_210 = arith.constant 2 : i32
      %mul3A_211 = vector.broadcast %mul3A_210 : i32 to vector<16xi32>
      %mul3A_212 = arith.muli %mul3A_211, %get3A_209 : vector<16xi32>
      %add3A_213 = vector.broadcast %arg0 : i32 to vector<16xi32>
      %add3A_214 = arith.addi %mul3A_212, %add3A_213 : vector<16xi32>
      %swap3A_215 = arith.index_cast %scan3A_109 : i32 to index
      %swap3A_216 = arith.constant 112 : index
      %swap3A_217 = tpu.vector_load %arg7[%swap3A_215, %swap3A_216] {strides = array<i32>} : memref<40x128xi32, #tpu.memory_space<vmem>>, vector<1x16xi32>,
      %swap3A_218 = vector.shape_cast %swap3A_217 : vector<1x16xi32> to vector<16xi32>
      %swap3A_219 = vector.shape_cast %add3A_214 : vector<16xi32> to vector<1x16xi32>
      tpu.vector_store %arg7[%swap3A_215, %swap3A_216], %swap3A_219 {strides = array<i32>} : memref<40x128xi32, #tpu.memory_space<vmem>>, vector<1x16xi32>,
    }
    %scan3A_66 = arith.constant 40 : i32
    %dma_start3A_67 = arith.constant 0 : i32
    %dma_start3A_68 = arith.constant 0 : i32
    %dma_start3A_69 = arith.constant 0 : i32
    %dma_start3A_70 = arith.constant 0 : i32
    %dma_start3A_71 = tpu.memref_slice %arg9[%dma_start3A_68, %dma_start3A_69, %dma_start3A_70] : memref<2x128x128xf32, #tpu.memory_space<vmem>> -> memref<1x64x128xf32, #tpu.memory_space<vmem>>
    %dma_start3A_72 = tpu.memref_squeeze %dma_start3A_71 : memref<1x64x128xf32, #tpu.memory_space<vmem>> -> memref<64x128xf32, #tpu.memory_space<vmem>>
    %dma_start3A_73 = arith.constant 0 : i32
    %dma_start3A_74 = tpu.memref_slice %arg7[%dma_start3A_67, %dma_start3A_73] : memref<40x128xi32, #tpu.memory_space<vmem>> -> memref<1x64xi32, #tpu.memory_space<vmem>>
    %dma_start3A_75 = tpu.memref_squeeze %dma_start3A_74 : memref<1x64xi32, #tpu.memory_space<vmem>> -> memref<64xi32, #tpu.memory_space<vmem>>
    %dma_start3A_76 = arith.constant 0 : i32
    %dma_start3A_77 = arith.constant 0 : i32
    %dma_start3A_78 = tpu.memref_slice %arg4[%dma_start3A_76, %dma_start3A_77] : memref<20000x128xf32, #tpu.memory_space<hbm>> -> memref<20000x128xf32, #tpu.memory_space<hbm>>
    tpu.enqueue_indirect_dma source(%dma_start3A_78 : memref<20000x128xf32, #tpu.memory_space<hbm>>) target(%dma_start3A_72 : memref<64x128xf32, #tpu.memory_space<vmem>>) offsets(%dma_start3A_75 : memref<64xi32, #tpu.memory_space<vmem>>) semaphore(%arg10 : memref<!tpu.dma_semaphore, #tpu.memory_space<semaphore_mem>>)
    %dma_start3A_79 = arith.constant 0 : i32
    %dma_start3A_80 = arith.constant 0 : i32
    %dma_start3A_81 = arith.constant 64 : i32
    %dma_start3A_82 = arith.constant 0 : i32
    %dma_start3A_83 = tpu.memref_slice %arg9[%dma_start3A_80, %dma_start3A_81, %dma_start3A_82] : memref<2x128x128xf32, #tpu.memory_space<vmem>> -> memref<1x64x128xf32, #tpu.memory_space<vmem>>
    %dma_start3A_84 = tpu.memref_squeeze %dma_start3A_83 : memref<1x64x128xf32, #tpu.memory_space<vmem>> -> memref<64x128xf32, #tpu.memory_space<vmem>>
    %dma_start3A_85 = arith.constant 64 : i32
    %dma_start3A_86 = tpu.memref_slice %arg7[%dma_start3A_79, %dma_start3A_85] : memref<40x128xi32, #tpu.memory_space<vmem>> -> memref<1x64xi32, #tpu.memory_space<vmem>>
    %dma_start3A_87 = tpu.memref_squeeze %dma_start3A_86 : memref<1x64xi32, #tpu.memory_space<vmem>> -> memref<64xi32, #tpu.memory_space<vmem>>
    %dma_start3A_88 = arith.constant 0 : i32
    %dma_start3A_89 = arith.constant 0 : i32
    %dma_start3A_90 = tpu.memref_slice %arg4[%dma_start3A_88, %dma_start3A_89] : memref<20000x128xf32, #tpu.memory_space<hbm>> -> memref<20000x128xf32, #tpu.memory_space<hbm>>
    tpu.enqueue_indirect_dma source(%dma_start3A_90 : memref<20000x128xf32, #tpu.memory_space<hbm>>) target(%dma_start3A_84 : memref<64x128xf32, #tpu.memory_space<vmem>>) offsets(%dma_start3A_87 : memref<64xi32, #tpu.memory_space<vmem>>) semaphore(%arg10 : memref<!tpu.dma_semaphore, #tpu.memory_space<semaphore_mem>>)
    %scan3A_91 = arith.constant 0 : i32
    %scan3A_92 = arith.constant 0 : i32
    %scan3A_93 = arith.constant 20 : i32
    %scan3A_94 = arith.addi %scan3A_92, %scan3A_93 : i32
    %scan3A_95 = arith.constant 1 : i32
    scf.for %scan3A_109 = %scan3A_92 to %scan3A_94 step %scan3A_95  : i32 {
      %mul3A_110 = arith.constant 2 : i32
      %mul3A_111 = arith.muli %mul3A_110, %scan3A_109 : i32
      %add3A_112 = arith.constant 0 : i32
      %add3A_113 = arith.addi %mul3A_111, %add3A_112 : i32
      %add3A_114 = arith.constant 1 : i32
      %add3A_115 = arith.addi %add3A_113, %add3A_114 : i32
      %lt3A_116 = arith.constant 40 : i32
      %lt3A_117 = arith.cmpi slt, %add3A_115, %lt3A_116 : i32
      %convert_element_type3A_118 = arith.extui %lt3A_117 : i1 to i32
      %cond3A_119 = arith.constant 0 : i32
      %cond3A_120 = arith.cmpi ne, %convert_element_type3A_118, %cond3A_119 : i32
      scf.if %cond3A_120 {
        %dma_start3A_177 = arith.constant 1 : i32
        %dma_start3A_178 = arith.constant 0 : i32
        %dma_start3A_179 = arith.constant 0 : i32
        %dma_start3A_180 = tpu.memref_slice %arg9[%dma_start3A_177, %dma_start3A_178, %dma_start3A_179] : memref<2x128x128xf32, #tpu.memory_space<vmem>> -> memref<1x64x128xf32, #tpu.memory_space<vmem>>
        %dma_start3A_181 = tpu.memref_squeeze %dma_start3A_180 : memref<1x64x128xf32, #tpu.memory_space<vmem>> -> memref<64x128xf32, #tpu.memory_space<vmem>>
        %dma_start3A_182 = arith.constant 0 : i32
        %dma_start3A_183 = tpu.memref_slice %arg7[%add3A_115, %dma_start3A_182] : memref<40x128xi32, #tpu.memory_space<vmem>> -> memref<1x64xi32, #tpu.memory_space<vmem>>
        %dma_start3A_184 = tpu.memref_squeeze %dma_start3A_183 : memref<1x64xi32, #tpu.memory_space<vmem>> -> memref<64xi32, #tpu.memory_space<vmem>>
        %dma_start3A_185 = arith.constant 0 : i32
        %dma_start3A_186 = arith.constant 0 : i32
        %dma_start3A_187 = tpu.memref_slice %arg4[%dma_start3A_185, %dma_start3A_186] : memref<20000x128xf32, #tpu.memory_space<hbm>> -> memref<20000x128xf32, #tpu.memory_space<hbm>>
        tpu.enqueue_indirect_dma source(%dma_start3A_187 : memref<20000x128xf32, #tpu.memory_space<hbm>>) target(%dma_start3A_181 : memref<64x128xf32, #tpu.memory_space<vmem>>) offsets(%dma_start3A_184 : memref<64xi32, #tpu.memory_space<vmem>>) semaphore(%arg11 : memref<!tpu.dma_semaphore, #tpu.memory_space<semaphore_mem>>)
        %dma_start3A_188 = arith.constant 1 : i32
        %dma_start3A_189 = arith.constant 64 : i32
        %dma_start3A_190 = arith.constant 0 : i32
        %dma_start3A_191 = tpu.memref_slice %arg9[%dma_start3A_188, %dma_start3A_189, %dma_start3A_190] : memref<2x128x128xf32, #tpu.memory_space<vmem>> -> memref<1x64x128xf32, #tpu.memory_space<vmem>>
        %dma_start3A_192 = tpu.memref_squeeze %dma_start3A_191 : memref<1x64x128xf32, #tpu.memory_space<vmem>> -> memref<64x128xf32, #tpu.memory_space<vmem>>
        %dma_start3A_193 = arith.constant 64 : i32
        %dma_start3A_194 = tpu.memref_slice %arg7[%add3A_115, %dma_start3A_193] : memref<40x128xi32, #tpu.memory_space<vmem>> -> memref<1x64xi32, #tpu.memory_space<vmem>>
        %dma_start3A_195 = tpu.memref_squeeze %dma_start3A_194 : memref<1x64xi32, #tpu.memory_space<vmem>> -> memref<64xi32, #tpu.memory_space<vmem>>
        %dma_start3A_196 = arith.constant 0 : i32
        %dma_start3A_197 = arith.constant 0 : i32
        %dma_start3A_198 = tpu.memref_slice %arg4[%dma_start3A_196, %dma_start3A_197] : memref<20000x128xf32, #tpu.memory_space<hbm>> -> memref<20000x128xf32, #tpu.memory_space<hbm>>
        tpu.enqueue_indirect_dma source(%dma_start3A_198 : memref<20000x128xf32, #tpu.memory_space<hbm>>) target(%dma_start3A_192 : memref<64x128xf32, #tpu.memory_space<vmem>>) offsets(%dma_start3A_195 : memref<64xi32, #tpu.memory_space<vmem>>) semaphore(%arg11 : memref<!tpu.dma_semaphore, #tpu.memory_space<semaphore_mem>>)
      } else {
      }
      %dma_wait3A = arith.constant 0 : i32
      %dma_wait3A_121 = arith.constant 0 : i32
      %dma_wait3A_122 = arith.constant 0 : i32
      %dma_wait3A_123 = tpu.memref_slice %arg9[%dma_wait3A, %dma_wait3A_121, %dma_wait3A_122] : memref<2x128x128xf32, #tpu.memory_space<vmem>> -> memref<1x64x128xf32, #tpu.memory_space<vmem>>
      %dma_wait3A_124 = tpu.memref_squeeze %dma_wait3A_123 : memref<1x64x128xf32, #tpu.memory_space<vmem>> -> memref<64x128xf32, #tpu.memory_space<vmem>>
      %dma_wait3A_125 = arith.constant 0 : i32
      %dma_wait3A_126 = tpu.memref_slice %arg7[%add3A_113, %dma_wait3A_125] : memref<40x128xi32, #tpu.memory_space<vmem>> -> memref<1x64xi32, #tpu.memory_space<vmem>>
      %dma_wait3A_127 = tpu.memref_squeeze %dma_wait3A_126 : memref<1x64xi32, #tpu.memory_space<vmem>> -> memref<64xi32, #tpu.memory_space<vmem>>
      %dma_wait3A_128 = arith.constant 0 : i32
      %dma_wait3A_129 = arith.constant 0 : i32
      %dma_wait3A_130 = tpu.memref_slice %arg4[%dma_wait3A_128, %dma_wait3A_129] : memref<20000x128xf32, #tpu.memory_space<hbm>> -> memref<20000x128xf32, #tpu.memory_space<hbm>>
      tpu.wait_indirect_dma semaphore(%arg10 : memref<!tpu.dma_semaphore, #tpu.memory_space<semaphore_mem>>) src(%dma_wait3A_130 : memref<20000x128xf32, #tpu.memory_space<hbm>>) dst(%dma_wait3A_124 : memref<64x128xf32, #tpu.memory_space<vmem>>)
      %dma_wait3A_131 = arith.constant 0 : i32
      %dma_wait3A_132 = arith.constant 64 : i32
      %dma_wait3A_133 = arith.constant 0 : i32
      %dma_wait3A_134 = tpu.memref_slice %arg9[%dma_wait3A_131, %dma_wait3A_132, %dma_wait3A_133] : memref<2x128x128xf32, #tpu.memory_space<vmem>> -> memref<1x64x128xf32, #tpu.memory_space<vmem>>
      %dma_wait3A_135 = tpu.memref_squeeze %dma_wait3A_134 : memref<1x64x128xf32, #tpu.memory_space<vmem>> -> memref<64x128xf32, #tpu.memory_space<vmem>>
      %dma_wait3A_136 = arith.constant 64 : i32
      %dma_wait3A_137 = tpu.memref_slice %arg7[%add3A_113, %dma_wait3A_136] : memref<40x128xi32, #tpu.memory_space<vmem>> -> memref<1x64xi32, #tpu.memory_space<vmem>>
      %dma_wait3A_138 = tpu.memref_squeeze %dma_wait3A_137 : memref<1x64xi32, #tpu.memory_space<vmem>> -> memref<64xi32, #tpu.memory_space<vmem>>
      %dma_wait3A_139 = arith.constant 0 : i32
      %dma_wait3A_140 = arith.constant 0 : i32
      %dma_wait3A_141 = tpu.memref_slice %arg4[%dma_wait3A_139, %dma_wait3A_140] : memref<20000x128xf32, #tpu.memory_space<hbm>> -> memref<20000x128xf32, #tpu.memory_space<hbm>>
      tpu.wait_indirect_dma semaphore(%arg10 : memref<!tpu.dma_semaphore, #tpu.memory_space<semaphore_mem>>) src(%dma_wait3A_141 : memref<20000x128xf32, #tpu.memory_space<hbm>>) dst(%dma_wait3A_135 : memref<64x128xf32, #tpu.memory_space<vmem>>)
      %run_scoped3A_142 = arith.constant 0 : i32
      "tpu.region"() ({
        %run_scoped3A_177 = tpu.sem_alloc : memref<!tpu.dma_semaphore, #tpu.memory_space<semaphore_mem>>
        %dma_start3A_178 = arith.constant 0 : i32
        %dma_start3A_179 = arith.constant 0 : i32
        %dma_start3A_180 = tpu.memref_slice %arg9[%run_scoped3A_142, %dma_start3A_178, %dma_start3A_179] : memref<2x128x128xf32, #tpu.memory_space<vmem>> -> memref<1x128x128xf32, #tpu.memory_space<vmem>>
        %dma_start3A_181 = tpu.memref_squeeze %dma_start3A_180 : memref<1x128x128xf32, #tpu.memory_space<vmem>> -> memref<128x128xf32, #tpu.memory_space<vmem>>
        %dma_start3A_182 = arith.constant 0 : i32
        %dma_start3A_183 = tpu.memref_slice %arg8[%add3A_113, %dma_start3A_182] : memref<40x128xi32, #tpu.memory_space<vmem>> -> memref<1x128xi32, #tpu.memory_space<vmem>>
        %dma_start3A_184 = tpu.memref_squeeze %dma_start3A_183 : memref<1x128xi32, #tpu.memory_space<vmem>> -> memref<128xi32, #tpu.memory_space<vmem>>
        %dma_start3A_185 = arith.constant 0 : i32
        %dma_start3A_186 = arith.constant 0 : i32
        %dma_start3A_187 = tpu.memref_slice %arg6[%dma_start3A_185, %dma_start3A_186] : memref<10240x128xf32, #tpu.memory_space<vmem_shared>> -> memref<10240x128xf32, #tpu.memory_space<vmem_shared>>
        tpu.enqueue_indirect_dma source(%dma_start3A_181 : memref<128x128xf32, #tpu.memory_space<vmem>>) target(%dma_start3A_187 : memref<10240x128xf32, #tpu.memory_space<vmem_shared>>) offsets(%dma_start3A_184 : memref<128xi32, #tpu.memory_space<vmem>>) semaphore(%run_scoped3A_177 : memref<!tpu.dma_semaphore, #tpu.memory_space<semaphore_mem>>) {add = true}
        %dma_wait3A_188 = arith.constant 0 : i32
        %dma_wait3A_189 = arith.constant 0 : i32
        %dma_wait3A_190 = tpu.memref_slice %arg9[%run_scoped3A_142, %dma_wait3A_188, %dma_wait3A_189] : memref<2x128x128xf32, #tpu.memory_space<vmem>> -> memref<1x128x128xf32, #tpu.memory_space<vmem>>
        %dma_wait3A_191 = tpu.memref_squeeze %dma_wait3A_190 : memref<1x128x128xf32, #tpu.memory_space<vmem>> -> memref<128x128xf32, #tpu.memory_space<vmem>>
        %dma_wait3A_192 = arith.constant 0 : i32
        %dma_wait3A_193 = tpu.memref_slice %arg8[%add3A_113, %dma_wait3A_192] : memref<40x128xi32, #tpu.memory_space<vmem>> -> memref<1x128xi32, #tpu.memory_space<vmem>>
        %dma_wait3A_194 = tpu.memref_squeeze %dma_wait3A_193 : memref<1x128xi32, #tpu.memory_space<vmem>> -> memref<128xi32, #tpu.memory_space<vmem>>
        %dma_wait3A_195 = arith.constant 0 : i32
        %dma_wait3A_196 = arith.constant 0 : i32
        %dma_wait3A_197 = tpu.memref_slice %arg6[%dma_wait3A_195, %dma_wait3A_196] : memref<10240x128xf32, #tpu.memory_space<vmem_shared>> -> memref<10240x128xf32, #tpu.memory_space<vmem_shared>>
        tpu.wait_indirect_dma semaphore(%run_scoped3A_177 : memref<!tpu.dma_semaphore, #tpu.memory_space<semaphore_mem>>) src(%dma_wait3A_191 : memref<128x128xf32, #tpu.memory_space<vmem>>) dst(%dma_wait3A_197 : memref<10240x128xf32, #tpu.memory_space<vmem_shared>>)
        tpu.yield
      }) : () -> ()
      %mul3A_143 = arith.constant 2 : i32
      %mul3A_144 = arith.muli %mul3A_143, %scan3A_109 : i32
      %add3A_145 = arith.constant 1 : i32
      %add3A_146 = arith.addi %mul3A_144, %add3A_145 : i32
      %add3A_147 = arith.constant 1 : i32
      %add3A_148 = arith.addi %add3A_146, %add3A_147 : i32
      %lt3A_149 = arith.constant 40 : i32
      %lt3A_150 = arith.cmpi slt, %add3A_148, %lt3A_149 : i32
      %convert_element_type3A_151 = arith.extui %lt3A_150 : i1 to i32
      %cond3A_152 = arith.constant 0 : i32
      %cond3A_153 = arith.cmpi ne, %convert_element_type3A_151, %cond3A_152 : i32
      scf.if %cond3A_153 {
        %dma_start3A_177 = arith.constant 0 : i32
        %dma_start3A_178 = arith.constant 0 : i32
        %dma_start3A_179 = arith.constant 0 : i32
        %dma_start3A_180 = tpu.memref_slice %arg9[%dma_start3A_177, %dma_start3A_178, %dma_start3A_179] : memref<2x128x128xf32, #tpu.memory_space<vmem>> -> memref<1x64x128xf32, #tpu.memory_space<vmem>>
        %dma_start3A_181 = tpu.memref_squeeze %dma_start3A_180 : memref<1x64x128xf32, #tpu.memory_space<vmem>> -> memref<64x128xf32, #tpu.memory_space<vmem>>
        %dma_start3A_182 = arith.constant 0 : i32
        %dma_start3A_183 = tpu.memref_slice %arg7[%add3A_148, %dma_start3A_182] : memref<40x128xi32, #tpu.memory_space<vmem>> -> memref<1x64xi32, #tpu.memory_space<vmem>>
        %dma_start3A_184 = tpu.memref_squeeze %dma_start3A_183 : memref<1x64xi32, #tpu.memory_space<vmem>> -> memref<64xi32, #tpu.memory_space<vmem>>
        %dma_start3A_185 = arith.constant 0 : i32
        %dma_start3A_186 = arith.constant 0 : i32
        %dma_start3A_187 = tpu.memref_slice %arg4[%dma_start3A_185, %dma_start3A_186] : memref<20000x128xf32, #tpu.memory_space<hbm>> -> memref<20000x128xf32, #tpu.memory_space<hbm>>
        tpu.enqueue_indirect_dma source(%dma_start3A_187 : memref<20000x128xf32, #tpu.memory_space<hbm>>) target(%dma_start3A_181 : memref<64x128xf32, #tpu.memory_space<vmem>>) offsets(%dma_start3A_184 : memref<64xi32, #tpu.memory_space<vmem>>) semaphore(%arg10 : memref<!tpu.dma_semaphore, #tpu.memory_space<semaphore_mem>>)
        %dma_start3A_188 = arith.constant 0 : i32
        %dma_start3A_189 = arith.constant 64 : i32
        %dma_start3A_190 = arith.constant 0 : i32
        %dma_start3A_191 = tpu.memref_slice %arg9[%dma_start3A_188, %dma_start3A_189, %dma_start3A_190] : memref<2x128x128xf32, #tpu.memory_space<vmem>> -> memref<1x64x128xf32, #tpu.memory_space<vmem>>
        %dma_start3A_192 = tpu.memref_squeeze %dma_start3A_191 : memref<1x64x128xf32, #tpu.memory_space<vmem>> -> memref<64x128xf32, #tpu.memory_space<vmem>>
        %dma_start3A_193 = arith.constant 64 : i32
        %dma_start3A_194 = tpu.memref_slice %arg7[%add3A_148, %dma_start3A_193] : memref<40x128xi32, #tpu.memory_space<vmem>> -> memref<1x64xi32, #tpu.memory_space<vmem>>
        %dma_start3A_195 = tpu.memref_squeeze %dma_start3A_194 : memref<1x64xi32, #tpu.memory_space<vmem>> -> memref<64xi32, #tpu.memory_space<vmem>>
        %dma_start3A_196 = arith.constant 0 : i32
        %dma_start3A_197 = arith.constant 0 : i32
        %dma_start3A_198 = tpu.memref_slice %arg4[%dma_start3A_196, %dma_start3A_197] : memref<20000x128xf32, #tpu.memory_space<hbm>> -> memref<20000x128xf32, #tpu.memory_space<hbm>>
        tpu.enqueue_indirect_dma source(%dma_start3A_198 : memref<20000x128xf32, #tpu.memory_space<hbm>>) target(%dma_start3A_192 : memref<64x128xf32, #tpu.memory_space<vmem>>) offsets(%dma_start3A_195 : memref<64xi32, #tpu.memory_space<vmem>>) semaphore(%arg10 : memref<!tpu.dma_semaphore, #tpu.memory_space<semaphore_mem>>)
      } else {
      }
      %dma_wait3A_154 = arith.constant 1 : i32
      %dma_wait3A_155 = arith.constant 0 : i32
      %dma_wait3A_156 = arith.constant 0 : i32
      %dma_wait3A_157 = tpu.memref_slice %arg9[%dma_wait3A_154, %dma_wait3A_155, %dma_wait3A_156] : memref<2x128x128xf32, #tpu.memory_space<vmem>> -> memref<1x64x128xf32, #tpu.memory_space<vmem>>
      %dma_wait3A_158 = tpu.memref_squeeze %dma_wait3A_157 : memref<1x64x128xf32, #tpu.memory_space<vmem>> -> memref<64x128xf32, #tpu.memory_space<vmem>>
      %dma_wait3A_159 = arith.constant 0 : i32
      %dma_wait3A_160 = tpu.memref_slice %arg7[%add3A_146, %dma_wait3A_159] : memref<40x128xi32, #tpu.memory_space<vmem>> -> memref<1x64xi32, #tpu.memory_space<vmem>>
      %dma_wait3A_161 = tpu.memref_squeeze %dma_wait3A_160 : memref<1x64xi32, #tpu.memory_space<vmem>> -> memref<64xi32, #tpu.memory_space<vmem>>
      %dma_wait3A_162 = arith.constant 0 : i32
      %dma_wait3A_163 = arith.constant 0 : i32
      %dma_wait3A_164 = tpu.memref_slice %arg4[%dma_wait3A_162, %dma_wait3A_163] : memref<20000x128xf32, #tpu.memory_space<hbm>> -> memref<20000x128xf32, #tpu.memory_space<hbm>>
      tpu.wait_indirect_dma semaphore(%arg11 : memref<!tpu.dma_semaphore, #tpu.memory_space<semaphore_mem>>) src(%dma_wait3A_164 : memref<20000x128xf32, #tpu.memory_space<hbm>>) dst(%dma_wait3A_158 : memref<64x128xf32, #tpu.memory_space<vmem>>)
      %dma_wait3A_165 = arith.constant 1 : i32
      %dma_wait3A_166 = arith.constant 64 : i32
      %dma_wait3A_167 = arith.constant 0 : i32
      %dma_wait3A_168 = tpu.memref_slice %arg9[%dma_wait3A_165, %dma_wait3A_166, %dma_wait3A_167] : memref<2x128x128xf32, #tpu.memory_space<vmem>> -> memref<1x64x128xf32, #tpu.memory_space<vmem>>
      %dma_wait3A_169 = tpu.memref_squeeze %dma_wait3A_168 : memref<1x64x128xf32, #tpu.memory_space<vmem>> -> memref<64x128xf32, #tpu.memory_space<vmem>>
      %dma_wait3A_170 = arith.constant 64 : i32
      %dma_wait3A_171 = tpu.memref_slice %arg7[%add3A_146, %dma_wait3A_170] : memref<40x128xi32, #tpu.memory_space<vmem>> -> memref<1x64xi32, #tpu.memory_space<vmem>>
      %dma_wait3A_172 = tpu.memref_squeeze %dma_wait3A_171 : memref<1x64xi32, #tpu.memory_space<vmem>> -> memref<64xi32, #tpu.memory_space<vmem>>
      %dma_wait3A_173 = arith.constant 0 : i32
      %dma_wait3A_174 = arith.constant 0 : i32
      %dma_wait3A_175 = tpu.memref_slice %arg4[%dma_wait3A_173, %dma_wait3A_174] : memref<20000x128xf32, #tpu.memory_space<hbm>> -> memref<20000x128xf32, #tpu.memory_space<hbm>>
      tpu.wait_indirect_dma semaphore(%arg11 : memref<!tpu.dma_semaphore, #tpu.memory_space<semaphore_mem>>) src(%dma_wait3A_175 : memref<20000x128xf32, #tpu.memory_space<hbm>>) dst(%dma_wait3A_169 : memref<64x128xf32, #tpu.memory_space<vmem>>)
      %run_scoped3A_176 = arith.constant 1 : i32
      "tpu.region"() ({
        %run_scoped3A_177 = tpu.sem_alloc : memref<!tpu.dma_semaphore, #tpu.memory_space<semaphore_mem>>
        %dma_start3A_178 = arith.constant 0 : i32
        %dma_start3A_179 = arith.constant 0 : i32
        %dma_start3A_180 = tpu.memref_slice %arg9[%run_scoped3A_176, %dma_start3A_178, %dma_start3A_179] : memref<2x128x128xf32, #tpu.memory_space<vmem>> -> memref<1x128x128xf32, #tpu.memory_space<vmem>>
        %dma_start3A_181 = tpu.memref_squeeze %dma_start3A_180 : memref<1x128x128xf32, #tpu.memory_space<vmem>> -> memref<128x128xf32, #tpu.memory_space<vmem>>
        %dma_start3A_182 = arith.constant 0 : i32
        %dma_start3A_183 = tpu.memref_slice %arg8[%add3A_146, %dma_start3A_182] : memref<40x128xi32, #tpu.memory_space<vmem>> -> memref<1x128xi32, #tpu.memory_space<vmem>>
        %dma_start3A_184 = tpu.memref_squeeze %dma_start3A_183 : memref<1x128xi32, #tpu.memory_space<vmem>> -> memref<128xi32, #tpu.memory_space<vmem>>
        %dma_start3A_185 = arith.constant 0 : i32
        %dma_start3A_186 = arith.constant 0 : i32
        %dma_start3A_187 = tpu.memref_slice %arg6[%dma_start3A_185, %dma_start3A_186] : memref<10240x128xf32, #tpu.memory_space<vmem_shared>> -> memref<10240x128xf32, #tpu.memory_space<vmem_shared>>
        tpu.enqueue_indirect_dma source(%dma_start3A_181 : memref<128x128xf32, #tpu.memory_space<vmem>>) target(%dma_start3A_187 : memref<10240x128xf32, #tpu.memory_space<vmem_shared>>) offsets(%dma_start3A_184 : memref<128xi32, #tpu.memory_space<vmem>>) semaphore(%run_scoped3A_177 : memref<!tpu.dma_semaphore, #tpu.memory_space<semaphore_mem>>) {add = true}
        %dma_wait3A_188 = arith.constant 0 : i32
        %dma_wait3A_189 = arith.constant 0 : i32
        %dma_wait3A_190 = tpu.memref_slice %arg9[%run_scoped3A_176, %dma_wait3A_188, %dma_wait3A_189] : memref<2x128x128xf32, #tpu.memory_space<vmem>> -> memref<1x128x128xf32, #tpu.memory_space<vmem>>
        %dma_wait3A_191 = tpu.memref_squeeze %dma_wait3A_190 : memref<1x128x128xf32, #tpu.memory_space<vmem>> -> memref<128x128xf32, #tpu.memory_space<vmem>>
        %dma_wait3A_192 = arith.constant 0 : i32
        %dma_wait3A_193 = tpu.memref_slice %arg8[%add3A_146, %dma_wait3A_192] : memref<40x128xi32, #tpu.memory_space<vmem>> -> memref<1x128xi32, #tpu.memory_space<vmem>>
        %dma_wait3A_194 = tpu.memref_squeeze %dma_wait3A_193 : memref<1x128xi32, #tpu.memory_space<vmem>> -> memref<128xi32, #tpu.memory_space<vmem>>
        %dma_wait3A_195 = arith.constant 0 : i32
        %dma_wait3A_196 = arith.constant 0 : i32
        %dma_wait3A_197 = tpu.memref_slice %arg6[%dma_wait3A_195, %dma_wait3A_196] : memref<10240x128xf32, #tpu.memory_space<vmem_shared>> -> memref<10240x128xf32, #tpu.memory_space<vmem_shared>>
        tpu.wait_indirect_dma semaphore(%run_scoped3A_177 : memref<!tpu.dma_semaphore, #tpu.memory_space<semaphore_mem>>) src(%dma_wait3A_191 : memref<128x128xf32, #tpu.memory_space<vmem>>) dst(%dma_wait3A_197 : memref<10240x128xf32, #tpu.memory_space<vmem_shared>>)
        tpu.yield
      }) : () -> ()
    }
    %scan3A_96 = arith.constant 20 : i32
    %barrier3A_97 = arith.constant 0 : index
    tpu.barrier barrier_id(%barrier3A_97)
    %add3A_98 = arith.constant 0 : i32
    %add3A_99 = arith.addi %arg1, %add3A_98 : i32
    %lt3A = arith.constant 25 : i32
    %lt3A_100 = arith.cmpi slt, %add3A_99, %lt3A : i32
    %convert_element_type3A = arith.extui %lt3A_100 : i1 to i32
    %cond3A = arith.constant 0 : i32
    %cond3A_101 = arith.cmpi ne, %convert_element_type3A, %cond3A : i32
    scf.if %cond3A_101 {
      %mul3A_109 = arith.constant 400 : i32
      %mul3A_110 = arith.muli %add3A_99, %mul3A_109 : i32
      %mul3A_111 = arith.constant 400 : i32
      %mul3A_112 = arith.muli %add3A_99, %mul3A_111 : i32
      "tpu.region"() ({
        %run_scoped3A_113 = tpu.sem_alloc : memref<!tpu.dma_semaphore, #tpu.memory_space<semaphore_mem>>
        %dma_start3A_114 = arith.constant 0 : i32
        %dma_start3A_115 = tpu.memref_slice %arg5[%arg0, %mul3A_112, %dma_start3A_114] : memref<2x10000x128xf32, #tpu.memory_space<hbm>> -> memref<1x400x128xf32, #tpu.memory_space<hbm>>
        %dma_start3A_116 = tpu.memref_squeeze %dma_start3A_115 : memref<1x400x128xf32, #tpu.memory_space<hbm>> -> memref<400x128xf32, #tpu.memory_space<hbm>>
        %dma_start3A_117 = arith.constant 0 : i32
        %dma_start3A_118 = tpu.memref_slice %arg6[%mul3A_110, %dma_start3A_117] : memref<10240x128xf32, #tpu.memory_space<vmem_shared>> -> memref<400x128xf32, #tpu.memory_space<vmem_shared>>
        tpu.enqueue_dma source(%dma_start3A_118 : memref<400x128xf32, #tpu.memory_space<vmem_shared>>) target(%dma_start3A_116 : memref<400x128xf32, #tpu.memory_space<hbm>>) target_semaphore(%run_scoped3A_113 : memref<!tpu.dma_semaphore, #tpu.memory_space<semaphore_mem>>)
        %dma_wait3A = arith.constant 0 : i32
        %dma_wait3A_119 = tpu.memref_slice %arg5[%arg0, %mul3A_112, %dma_wait3A] : memref<2x10000x128xf32, #tpu.memory_space<hbm>> -> memref<1x400x128xf32, #tpu.memory_space<hbm>>
        %dma_wait3A_120 = tpu.memref_squeeze %dma_wait3A_119 : memref<1x400x128xf32, #tpu.memory_space<hbm>> -> memref<400x128xf32, #tpu.memory_space<hbm>>
        %dma_wait3A_121 = arith.constant 0 : i32
        %dma_wait3A_122 = tpu.memref_slice %arg6[%mul3A_110, %dma_wait3A_121] : memref<10240x128xf32, #tpu.memory_space<vmem_shared>> -> memref<400x128xf32, #tpu.memory_space<vmem_shared>>
        tpu.wait_dma2 semaphore(%run_scoped3A_113 : memref<!tpu.dma_semaphore, #tpu.memory_space<semaphore_mem>>) src(%dma_wait3A_122 : memref<400x128xf32, #tpu.memory_space<vmem_shared>>) dst(%dma_wait3A_120 : memref<400x128xf32, #tpu.memory_space<hbm>>)
        tpu.yield
      }) : () -> ()
    } else {
    }
    %add3A_102 = arith.constant 16 : i32
    %add3A_103 = arith.addi %arg1, %add3A_102 : i32
    %lt3A_104 = arith.constant 25 : i32
    %lt3A_105 = arith.cmpi slt, %add3A_103, %lt3A_104 : i32
    %convert_element_type3A_106 = arith.extui %lt3A_105 : i1 to i32
    %cond3A_107 = arith.constant 0 : i32
    %cond3A_108 = arith.cmpi ne, %convert_element_type3A_106, %cond3A_107 : i32
    scf.if %cond3A_108 {
      %mul3A_109 = arith.constant 400 : i32
      %mul3A_110 = arith.muli %add3A_103, %mul3A_109 : i32
      %mul3A_111 = arith.constant 400 : i32
      %mul3A_112 = arith.muli %add3A_103, %mul3A_111 : i32
      "tpu.region"() ({
        %run_scoped3A_113 = tpu.sem_alloc : memref<!tpu.dma_semaphore, #tpu.memory_space<semaphore_mem>>
        %dma_start3A_114 = arith.constant 0 : i32
        %dma_start3A_115 = tpu.memref_slice %arg5[%arg0, %mul3A_112, %dma_start3A_114] : memref<2x10000x128xf32, #tpu.memory_space<hbm>> -> memref<1x400x128xf32, #tpu.memory_space<hbm>>
        %dma_start3A_116 = tpu.memref_squeeze %dma_start3A_115 : memref<1x400x128xf32, #tpu.memory_space<hbm>> -> memref<400x128xf32, #tpu.memory_space<hbm>>
        %dma_start3A_117 = arith.constant 0 : i32
        %dma_start3A_118 = tpu.memref_slice %arg6[%mul3A_110, %dma_start3A_117] : memref<10240x128xf32, #tpu.memory_space<vmem_shared>> -> memref<400x128xf32, #tpu.memory_space<vmem_shared>>
        tpu.enqueue_dma source(%dma_start3A_118 : memref<400x128xf32, #tpu.memory_space<vmem_shared>>) target(%dma_start3A_116 : memref<400x128xf32, #tpu.memory_space<hbm>>) target_semaphore(%run_scoped3A_113 : memref<!tpu.dma_semaphore, #tpu.memory_space<semaphore_mem>>)
        %dma_wait3A = arith.constant 0 : i32
        %dma_wait3A_119 = tpu.memref_slice %arg5[%arg0, %mul3A_112, %dma_wait3A] : memref<2x10000x128xf32, #tpu.memory_space<hbm>> -> memref<1x400x128xf32, #tpu.memory_space<hbm>>
        %dma_wait3A_120 = tpu.memref_squeeze %dma_wait3A_119 : memref<1x400x128xf32, #tpu.memory_space<hbm>> -> memref<400x128xf32, #tpu.memory_space<hbm>>
        %dma_wait3A_121 = arith.constant 0 : i32
        %dma_wait3A_122 = tpu.memref_slice %arg6[%mul3A_110, %dma_wait3A_121] : memref<10240x128xf32, #tpu.memory_space<vmem_shared>> -> memref<400x128xf32, #tpu.memory_space<vmem_shared>>
        tpu.wait_dma2 semaphore(%run_scoped3A_113 : memref<!tpu.dma_semaphore, #tpu.memory_space<semaphore_mem>>) src(%dma_wait3A_122 : memref<400x128xf32, #tpu.memory_space<vmem_shared>>) dst(%dma_wait3A_120 : memref<400x128xf32, #tpu.memory_space<hbm>>)
        tpu.yield
      }) : () -> ()
    } else {
    }
    return
  }
}

module attributes {stable_mosaic.version = 14 : i64} {
  func.func @body(%arg0: i32, %arg1: memref<2x1000x128xf32, #tpu.memory_space<vmem>>, %arg2: memref<256x256xf32, #tpu.memory_space<vmem>>, %arg3: memref<1x256xf32, #tpu.memory_space<vmem>>, %arg4: memref<1000x256xf32, #tpu.memory_space<vmem>>) attributes {dimension_semantics = [#tpu.dimension_semantics<arbitrary>], iteration_bounds = array<i64: 10>, scalar_prefetch = 0 : i64, scratch_operands = 0 : i64, tpu.core_type = #tpu.core_type<tc>, window_params = [{transform_indices = @transform_0, window_bounds = array<i64: 2, 1000, 128>}, {pipeline_mode = #tpu.pipeline_mode<synchronous>, transform_indices = @transform_1, window_bounds = array<i64: 256, 256>}, {pipeline_mode = #tpu.pipeline_mode<synchronous>, transform_indices = @transform_2, window_bounds = array<i64: 1, 256>}, {transform_indices = @transform_3, window_bounds = array<i64: 1000, 256>}]} {
    %get3A = arith.constant 0 : index
    %get3A_0 = arith.constant 0 : index
    %get3A_1 = arith.constant 0 : index
    %get3A_2 = vector.load %arg1[%get3A, %get3A_0, %get3A_1] : memref<2x1000x128xf32, #tpu.memory_space<vmem>>, vector<1x1000x128xf32>
    %get3A_3 = vector.shape_cast %get3A_2 : vector<1x1000x128xf32> to vector<1000x128xf32>
    %get3A_4 = arith.constant 0 : index
    %get3A_5 = arith.constant 0 : index
    %get3A_6 = vector.load %arg2[%get3A_4, %get3A_5] : memref<256x256xf32, #tpu.memory_space<vmem>>, vector<128x256xf32>
    %dot_general3A = arith.constant dense<0.000000e+00> : vector<1000x256xf32>
    %dot_general3A_7 = tpu.matmul %get3A_3, %get3A_6, %dot_general3A {dimension_numbers = #tpu.dot_dimension_numbers<[1], [0], [0], [1], [0, 0, 1, 1], [], []>, transpose_lhs_hint = false} : vector<1000x128xf32>, vector<128x256xf32>, vector<1000x256xf32> -> vector<1000x256xf32>
    %get3A_8 = arith.constant 1 : index
    %get3A_9 = arith.constant 0 : index
    %get3A_10 = arith.constant 0 : index
    %get3A_11 = vector.load %arg1[%get3A_8, %get3A_9, %get3A_10] : memref<2x1000x128xf32, #tpu.memory_space<vmem>>, vector<1x1000x128xf32>
    %get3A_12 = vector.shape_cast %get3A_11 : vector<1x1000x128xf32> to vector<1000x128xf32>
    %get3A_13 = arith.constant 128 : index
    %get3A_14 = arith.constant 0 : index
    %get3A_15 = vector.load %arg2[%get3A_13, %get3A_14] : memref<256x256xf32, #tpu.memory_space<vmem>>, vector<128x256xf32>
    %dot_general3A_16 = arith.constant dense<0.000000e+00> : vector<1000x256xf32>
    %dot_general3A_17 = tpu.matmul %get3A_12, %get3A_15, %dot_general3A_16 {dimension_numbers = #tpu.dot_dimension_numbers<[1], [0], [0], [1], [0, 0, 1, 1], [], []>, transpose_lhs_hint = false} : vector<1000x128xf32>, vector<128x256xf32>, vector<1000x256xf32> -> vector<1000x256xf32>
    %add3A = arith.addf %dot_general3A_7, %dot_general3A_17 : vector<1000x256xf32>
    %get3A_18 = arith.constant 0 : index
    %get3A_19 = arith.constant 0 : index
    %get3A_20 = vector.load %arg3[%get3A_18, %get3A_19] : memref<1x256xf32, #tpu.memory_space<vmem>>, vector<1x256xf32>
    %add3A_21 = vector.broadcast %get3A_20 : vector<1x256xf32> to vector<1000x256xf32>
    %add3A_22 = arith.addf %add3A, %add3A_21 : vector<1000x256xf32>
    %max3A = arith.constant 0.000000e+00 : f32
    %max3A_23 = vector.broadcast %max3A : f32 to vector<1000x256xf32>
    %max3A_24 = arith.maximumf %add3A_22, %max3A_23 : vector<1000x256xf32>
    %sub3A = vector.broadcast %get3A_20 : vector<1x256xf32> to vector<1000x256xf32>
    %sub3A_25 = arith.subf %max3A_24, %sub3A : vector<1000x256xf32>
    %mul3A = arith.constant 2.000000e+00 : f32
    %mul3A_26 = vector.broadcast %mul3A : f32 to vector<1000x256xf32>
    %mul3A_27 = arith.mulf %mul3A_26, %sub3A_25 : vector<1000x256xf32>
    %swap3A = arith.constant 0 : index
    %swap3A_28 = arith.constant 0 : index
    %swap3A_29 = vector.load %arg4[%swap3A, %swap3A_28] : memref<1000x256xf32, #tpu.memory_space<vmem>>, vector<1000x256xf32>
    tpu.vector_store %arg4[%swap3A, %swap3A_28], %mul3A_27 {strides = array<i32>} : memref<1000x256xf32, #tpu.memory_space<vmem>>, vector<1000x256xf32>,
    return
  }
  func.func @transform_0(%arg0: i32) -> (i32, i32, i32) {
    %c0_i32 = arith.constant 0 : i32
    %c0_i32_0 = arith.constant 0 : i32
    %c0_i32_1 = arith.constant 0 : i32
    return %c0_i32, %arg0, %c0_i32_0 : i32, i32, i32
  }
  func.func @transform_1(%arg0: i32) -> (i32, i32) {
    %c0_i32 = arith.constant 0 : i32
    %c0_i32_0 = arith.constant 0 : i32
    %c0_i32_1 = arith.constant 0 : i32
    return %c0_i32, %c0_i32_0 : i32, i32
  }
  func.func @transform_2(%arg0: i32) -> (i32, i32) {
    %c0_i32 = arith.constant 0 : i32
    %c0_i32_0 = arith.constant 0 : i32
    %c0_i32_1 = arith.constant 0 : i32
    return %c0_i32, %c0_i32_0 : i32, i32
  }
  func.func @transform_3(%arg0: i32) -> (i32, i32) {
    %c0_i32 = arith.constant 0 : i32
    %c0_i32_0 = arith.constant 0 : i32
    return %arg0, %c0_i32 : i32, i32
  }
}

</mosaic_0001>

<sc_bundles>
// kernel: kernel.4.cloned.1.call-start
scs
__scs_entry_jumppad:
0x0: {  	(pc) =	sbr.rel $0x88, $3  }
0x1: {  	(tag) =	ssettag $0x0;
	lr =	simm.s32 $0x1  }
0x2: {  	[smem:$0x3F9D] =	sst lr;
	_ =	strace $0xD0000000  }
0x3: {  	_ = 	snop  }
0x4: {  	_ = 	snop  }
0x5: {  	_ = 	snop  }
0x6: {  	_ = 	snop  }
0x7: {  	_ = 	snop  }
__scs_overlays_trampoline_lowered:
0x8: {  	[smem:$0x3FAC] =	sst s0  }
0x9: {  	[smem:$0x3FAD] =	sst s1  }
0xa: {  	[smem:$0x3FAE] =	sst s2  }
0xb: {  	[smem:$0x3FAF] =	sst s3  }
0xc: {  	[smem:$0x3FB0] =	sst s4  }
0xd: {  	[smem:$0x3FB1] =	sst s5  }
0xe: {  	[smem:$0x3FB2] =	sst s6  }
0xf: {  	[smem:$0x3FB3] =	sst s7  }
0x10: {  	[smem:$0x3FB4] =	sst s8  }
0x11: {  	[smem:$0x3FB5] =	sst s9;
	s0 =	simm.s32 @!p0 $0x0  }
0x12: {  	s1 =	sld [smem:$0x3F9B];
	s0 =	simm.s32 @p0 $0x1  }
0x13: {  	[smem:$0x3FB6] =	sst s0;
	s0 =	simm.s32 @!p1 $0x0  }
0x14: {  	s2 =	sld [smem:$0x3F9A];
	s0 =	simm.s32 @p1 $0x1  }
0x15: {  	[smem:$0x3FB7] =	sst s0;
	s0 =	simm.s32 @!p2 $0x0  }
0x16: {  	s3 =	sld [smem:$0x3FDB];
	s0 =	simm.s32 @p2 $0x1  }
0x17: {  	s4 =	simm.s32 $0x1BF5;
	[smem:$0x3FB9] =	sst s0  }
0x18: {  	s0 =	sld [smem:$0x3F9C];
	_ =	swait.ge [sflag:s4], $0x0  }
0x19: {  	s7 =	sld [smem:$0x3F9D]  }
0x1a: {  	s8 =	sadd.s32 $0xFFFFE003, lr  }
0x1b: {  	s9 =	sadd.s32 $0xFFFFFEF7, lr;
	s5 =	simm.s32 $0xFFFFFFFF;
	p2 =	slt.u32 s8, $0xFFFFF086  }
0x1c: {  	p1 =	slt.u32 s9, $0xF7A;
	s5 =	simm.s32 @!p2 $0x0  }
0x1d: {  	s5 =	simm.s32 @p1 $0x1;
	p0 =	seq.s32 s7, s2  }
0x1e: {  	s7 =	smul.u32 @!p0 $0xF7A, s2;
	p2 =	seq.s32 @!p0 s5, $0x0  }
0x1f: {  	s9 =	smul.u32 $0xF7A, s1;
	s8 =	simm.s32 @!p0 $0x1BF5;
	p2 =	por !p2, p0  }
0x20: {  	[sflag:s8] =	ssyncset.s32 @!p0 $0xFFFFF086;
	s6 =	sadd.s32 @!p0 s3, s7;
	s7 =	simm.s32 @!p0 $0x108  }
0x21: {  	s3 =	sadd.s32 s3, s9;
	s6 =	sadd.s32 @!p0 $0x88, s6;
	s7 =	simm.s32 @p2 $0x1082  }
0x22: {  	[simem:s7], [sflag:s8] =	dma.local @!p0 [hbm:s6], $0xF7A  }
0x23: {  	s9 =	sor.u32 $0xD0000000, s2;
	s6 =	simm.s32 $0x108;
	_ =	swait.ge @!p0 [sflag:s8], $0x0  }
0x24: {  	s3 =	sadd.s32 $0x88, s3;
	s6 =	simm.s32 @!p1 $0x1082;
	[sflag:s4] =	ssyncset.s32 $0xFFFFF086  }
0x25: {  	[simem:s6], [sflag:s4] =	dma.local [hbm:s3], $0xF7A  }
0x26: {  	[smem:$0x3F9D] =	sst s1;
	(tag) =	ssettag s2;
	_ =	strace s9  }
0x27: {  	s1 =	sld [smem:$0x3FAD]  }
0x28: {  	s2 =	sld [smem:$0x3FAE]  }
0x29: {  	s4 =	sld [smem:$0x3FB0]  }
0x2a: {  	p0 =	seq.s32 s5, $0x0;
	s5 =	sld [smem:$0x3FB1]  }
0x2b: {  	s6 =	sld [smem:$0x3FB2]  }
0x2c: {  	s7 =	sld [smem:$0x3FB3]  }
0x2d: {  	s3 =	simm.s32 $0x108;
	s8 =	sld [smem:$0x3FB4]  }
0x2e: {  	s3 =	simm.s32 @!p0 $0x1082;
	s9 =	sld [smem:$0x3FB5]  }
0x2f: {  	lr =	sadd.s32 s0, s3;
	s0 =	sld [smem:$0x3FAC]  }
0x30: {  	s3 =	sld [smem:$0x3FAF]  }
0x31: {  	[smem:$0x3FB8] =	sst s10  }
0x32: {  	s10 =	sld [smem:$0x3FB6];
	_ =	sdelay $0x3  }
0x33: {  	p0 =	seq.s32 s10, $0x1;
	s10 =	sld [smem:$0x3FB8];
	_ =	sdelay $0x3  }
0x34: {  	[smem:$0x3FB8] =	sst s10  }
0x35: {  	s10 =	sld [smem:$0x3FB7];
	_ =	sdelay $0x3  }
0x36: {  	p1 =	seq.s32 s10, $0x1;
	s10 =	sld [smem:$0x3FB8];
	_ =	sdelay $0x3  }
0x37: {  	[smem:$0x3FB8] =	sst s10  }
0x38: {  	s10 =	sld [smem:$0x3FB9]  }
0x39: {  	_ = 	snop;
	(pc) =	sbr.ind lr, $3  }
0x3a: {  	_ = 	snop  }
0x3b: {  	_ = 	snop  }
0x3c: {  	p2 =	seq.s32 s10, $0x1;
	s10 =	sld [smem:$0x3FB8]  }
0x3d: {  	_ =	shalt  }
0x3e: {  	_ =	shalt  }
0x3f: {  	_ =	shalt  }
0x40: {  	_ =	shalt  }
0x41: {  	_ =	shalt  }
0x42: {  	_ =	shalt  }
0x43: {  	_ =	shalt  }
0x44: {  	_ =	shalt  }
0x45: {  	_ =	shalt  }
0x46: {  	_ =	shalt  }
0x47: {  	_ =	shalt  }
0x48: {  	_ =	shalt  }
0x49: {  	_ =	shalt  }
0x4a: {  	_ =	shalt  }
0x4b: {  	_ =	shalt  }
0x4c: {  	_ =	shalt  }
0x4d: {  	_ =	shalt  }
0x4e: {  	_ =	shalt  }
0x4f: {  	_ =	shalt  }
0x50: {  	_ =	shalt  }
0x51: {  	_ =	shalt  }
0x52: {  	_ =	shalt  }
0x53: {  	_ =	shalt  }
0x54: {  	_ =	shalt  }
0x55: {  	_ =	shalt  }
0x56: {  	_ =	shalt  }
0x57: {  	_ =	shalt  }
0x58: {  	_ =	shalt  }
0x59: {  	_ =	shalt  }
0x5a: {  	_ =	shalt  }
0x5b: {  	_ =	shalt  }
0x5c: {  	_ =	shalt  }
0x5d: {  	_ =	shalt  }
0x5e: {  	_ =	shalt  }
0x5f: {  	_ =	shalt  }
0x60: {  	_ =	shalt  }
0x61: {  	_ =	shalt  }
0x62: {  	_ =	shalt  }
0x63: {  	_ =	shalt  }
0x64: {  	_ =	shalt  }
0x65: {  	_ =	shalt  }
0x66: {  	_ =	shalt  }
0x67: {  	_ =	shalt  }
0x68: {  	_ =	shalt  }
0x69: {  	_ =	shalt  }
0x6a: {  	_ =	shalt  }
0x6b: {  	_ =	shalt  }
0x6c: {  	_ =	shalt  }
0x6d: {  	_ =	shalt  }
0x6e: {  	_ =	shalt  }
0x6f: {  	_ =	shalt  }
0x70: {  	_ =	shalt  }
0x71: {  	_ =	shalt  }
0x72: {  	_ =	shalt  }
0x73: {  	_ =	shalt  }
0x74: {  	_ =	shalt  }
0x75: {  	_ =	shalt  }
0x76: {  	_ =	shalt  }
0x77: {  	_ =	shalt  }
0x78: {  	_ =	shalt  }
0x79: {  	_ =	shalt  }
0x7a: {  	_ =	shalt  }
0x7b: {  	_ =	shalt  }
0x7c: {  	_ =	shalt  }
0x7d: {  	_ =	shalt  }
0x7e: {  	_ =	shalt  }
0x7f: {  	_ =	shalt  }
0x80: {  	_ =	shalt  }
0x81: {  	_ =	shalt  }
0x82: {  	_ =	shalt  }
0x83: {  	_ =	shalt  }
0x84: {  	_ =	shalt  }
0x85: {  	_ =	shalt  }
0x86: {  	_ =	shalt  }
0x87: {  	_ =	shalt  }
.Lfunc_end0:
.L_simem_size_0:
called_computation_lowered:
.L_overlay_start_0:
0x88: {  	s2 =	sld [smem:$0x3FD9]  }
0x89: {  	s3 =	sld [smem:$0x3FFE];
	_ =	sdelay $0x1  }
0x8a: {  	s1 =	srdreg.scid  }
0x8b: {  	s0 =	sand.u32 $0x1, s1  }
0x8c: {  	s17 =	sshll.u32 s0, $0xA;
	s2 =	sadd.s32 s3, s2  }
0x8d: {  	s2 =	sadd.s32 s2, s17  }
0x8e: {  	[smem:$0x3FC4] =	sst s2  }
0x8f: {  	_ = 	snop  }
0x90: {  	s2 =	sld [smem:$0x3FD0];
	(tm) =	ssettm $0x1  }
0x91: {  	s18 =	sld [smem:$0x3FFB];
	_ =	sdelay $0x3  }
0x92: {  	_ =	strace s18  }
0x93: {  	s3 =	sld [smem:$0x3FFC];
	_ =	sdelay $0x3  }
0x94: {  	_ =	strace s3  }
0x95: {  	s3 =	sld [smem:$0x3FFD];
	_ =	sdelay $0x3  }
0x96: {  	_ =	strace s3  }
0x97: {  	_ =	strace $0x8FFFFFFF  }
0x98: {  	s19 =	sld [smem:$0x3FDB];
	_ =	sdelay $0x1  }
0x99: {  	s4 =	simm.s32 $_scs_section_size  }
0x9a: {  	s5 =	simm.s32 $_size__tile_overlayer_lowered;
	s6 =	simm.s32 $_tile_overlayer_lowered  }
0x9b: {  	s22 =	simm.s32 $0x1BFF;
	s21 =	sshll.u32 s6, $0x1;
	s3 =	sadd.s32 s4, s19  }
0x9c: {  	s7 =	simm.s32 $0x0;
	s20 =	sshll.u32 s5, $0x1;
	s5 =	sadd.s32 s21, s3  }
0x9d: {  	[timem:s7], [sflag:s22] =	dma.local [hbm:s5], s20  }
0x9e: {  	_ =	swait.ge [sflag:s22], s20  }
0x9f: {  	s4 =	ssub.s32 $0x0, s20;
	[sflag:s22] =	ssyncset.done $0x0  }
0xa0: {  	[sflag:s22] =	ssyncadd.s32 s4;
	_ =	sdelay $0x1  }
0xa1: {  	s23 =	simm.s32 $0x1B8B  }
0xa2: {  	_ =	swait.ge [sflag:s23], $0x1  }
0xa3: {  	[sflag:s23] =	ssyncset.done $0x0  }
0xa4: {  	s25 =	simm.s32 $0x1B8E;
	s24 =	sld [smem:$0x3FFE];
	[sflag:s23] =	ssyncadd.s32 $0xFFFFFFFF  }
0xa5: {  	s26 =	simm.s32 $execute0_lowered;
	[smem:$0x3FD2] =	sst s25  }
0xa6: {  	s5 =	sshll.u32 s26, $0x1;
	_ =	strace $0x80000046;
	[dreg:$0x1] =	wrdreg $0xFFFFFFFF  }
0xa7: {  	s28 =	simm.s32 $_size_execute0_lowered;
	s3 =	sadd.s32 s3, s5;
	[dreg:$0x0] =	wrdreg $0x0  }
0xa8: {  	s5 =	sshll.u32 s28, $0x1;
	[dreg:$0x2] =	wrdreg s3  }
0xa9: {  	[dreg:$0x3] =	wrdreg s5  }
0xaa: {  	[dreg:$0x4] =	wrdreg $0xC0  }
0xab: {  	_ =	task [dreg:s7], $0x5FFFF  }
0xac: {  	[dreg:$0x1] =	wrdreg $0xFFFFFFFF  }
0xad: {  	[dreg:$0x0] =	wrdreg $0x60  }
0xae: {  	[dreg:$0x2] =	wrdreg s24  }
0xaf: {  	[dreg:$0x3] =	wrdreg s2  }
0xb0: {  	[dreg:$0x4] =	wrdreg $0x0  }
0xb1: {  	[dreg:$0x5] =	wrdreg $0x9  }
0xb2: {  	_ =	task.clear_ibuf [dreg:s7], $0x6FFFF;
	_ =	strace $0x90000046  }
0xb3: {  	s29 =	simm.s32 $0x9;
	_ =	strace $0x80000048  }
0xb4: {  	_ =	swait.ge [sflag:s29], $0x1  }
0xb5: {  	[sflag:s29] =	ssyncadd.s32 $0xFFFFFFFF  }
0xb6: {  	_ =	strace $0x90000048  }
0xb7: {  	_ =	sfence  }
0xb8: {  	s30 =	sld [smem:$0x0];
	_ =	sdelay $0x2  }
0xb9: {  	s31 =	sshll.u32 s1, $0xD;
	s1 =	sshrl.u32 s1, $0x2  }
0xba: {  	s3 =	sand.u32 $0x4000, s31;
	s1 =	sadd.s32 s1, s30  }
0xbb: {  	s0 =	sor.u32 s3, s0;
	s1 =	sshll.u32 s1, $0x11  }
0xbc: {  	s0 =	sor.u32 s1, s0  }
0xbd: {  	s0 =	sadd.s32 $0x8F2B, s0  }
0xbe: {  	[sflag:s0] =	ssyncadd.remote.s32 $0x1  }
0xbf: {  	_ =	sfence.sel $0xFFFF  }
0xc0: {  	[dreg:$0x0] =	wrdreg $0xFFFFFFFF;
	(pc) =	sbr.abs _section_cstart, $3  }
0xc1: {  	[dreg:$0x1] =	wrdreg $0xFFFFFFFF  }
0xc2: {  	_ =	task.clear_ibuf [dreg:s7], $0x2FFFF;
	_ =	strace $0x9FFFFFFF  }
0xc3: {  	(tm) =	ssettm $0x7FFFFFFF  }
tec
execute0_lowered:
.L_overlay_start_1:
0x0: {  	(tag) =	ssettag $0x1  }
0x1: {  	s0 =	rddreg [dreg:$0x0]  }
0x2: {  	s1 =	rddreg [dreg:$0x1]  }
0x3: {  	s3 =	rddreg [dreg:$0x2];
	s10 =	stileid.u32  }
0x4: {  	s4 =	simm.s32 $0x0;
	s2 =	srdreg.scid;
	s5 =	smul.u32 $0x50000, s10  }
0x5: {  	s28 =	simm.s32 $0x1C800;
	s29 =	simm.s32 $0x1;
	s11 =	smul.u32 $0x500, s10  }
0x6: {  	s30 =	simm.s32 $0x80;
	s31 =	simm.s32 $0x2;
	s18 =	smul.u32 $0x2800, s10  }
0x7: {  	[smem:$0x7FF] =	sst s4;
	s6 =	sadd.s32 $0x5400, s0;
	s15 =	smul.u32 $0xC800, s10  }
0x8: {  	s7 =	sadd.s32 $0x400, s0;
	s2 =	sand.u32 $0x1, s2;
	s24 =	smul.u32 $0x32000, s10  }
0x9: {  	s0 =	sadd.s32 $0xA400, s0;
	s16 =	sor.u32 $0x10, s10;
	s14 =	smul.u32 $0x138800, s2  }
0xa: {  	p0 =	sgt.u32 s10, $0x8;
	_ =	strace $0x80000047;
	s22 =	smul.u32 $0xC800, s16  }
0xb: {  	s8 =	ssub.s32 $0x2, s2;
	s16 =	smul.u32 $0x32000, s16;
	v0 =	vmov s2;
	s2 =	simm.s32 $0x153C0  }
0xc: {  	s5 =	sshrl.u32 s5, $0x2;
	s9 =	sshrl.u32 s8, $0x1;
	s21 =	sadd.s32 s6, s11  }
0xd: {  	s11 =	sadd.s32 s7, s11;
	s25 =	sshrl.u32 s24, $0x2;
	s5 =	sadd.s32 s5, s3  }
0xe: {  	s8 =	ssub.s32 s8, s9;
	[dreg:$0x8] =	wrdreg s21;
	s9 =	sshrl.u32 s18, $0x3  }
0xf: {  	[dreg:$0x9] =	wrdreg s11;
	s23 =	sadd.s32 s15, s14;
	s17 =	sadd.s32 $0x4000, s5  }
0x10: {  	s26 =	sshrl.u32 s16, $0x2;
	s12 =	sadd.s32 $0x8000, s5;
	[dreg:$0x4] =	wrdreg s17  }
0x11: {  	s18 =	simm.s32 $0x3;
	s19 =	sadd.s32 $0xC000, s5;
	[dreg:$0x5] =	wrdreg s12  }
0x12: {  	s21 =	simm.s32 $0x40;
	s20 =	sadd.s32 $0x10000, s5;
	[dreg:$0x6] =	wrdreg s19  }
0x13: {  	s9 =	sadd.s32 $0x280, s9;
	s16 =	smax.u32 s8, $0x1;
	[dreg:$0x7] =	wrdreg s20  }
0x14: {  	s6 =	sadd.s32 s6, s9;
	s13 =	sadd.s32 s7, s9;
	s7 =	sshrl.u32 s23, $0x3  }
0x15: {  	s17 =	simm.s32 $0x16800;
	s19 =	simm.s32 $0x14000;
	s20 =	simm.s32 $0x15400  }
0x16: {  	[dreg:$0xa] =	wrdreg s6;
	s6 =	sadd.s32 s14, s22;
	s14 =	sadd.s32 s0, s7  }
0x17: {  	s7 =	sadd.s32 s25, s3;
	s22 =	simm.s32 $0x14040;
	s25 =	simm.s32 $0x18800  }
0x18: {  	s6 =	sshrl.u32 s6, $0x3;
	s23 =	sshrl.u32 s7, $0x3;
	s7 =	simm.s32 $0x16780  }
0x19: {  	s15 =	sadd.s32 s0, s6;
	s0 =	sadd.s32 s26, s3;
	s26 =	simm.s32 $0x1A800  }
0x1a: {  	v1 =	vimm.f32 $0.0e+00;
	s6 =	simm.s32 $0x16700;
	s24 =	sshrl.u32 @!p0 s0, $0x3;
	s0 =	simm.s32 $0x15380  }
.LBB2_1:
0x1b: {  	s8 =	simm.s32 $0x0;
	s9 =	simm.s32 $0x200  }
.LBB2_2:
0x1c: {  	p1 =	sne.s32 s9, $0xFE00;
	[tilespmem:s8+$0x16870] =	vst v1  }
0x1d: {  	[tilespmem:s8+$0x16800] =	vst v1  }
0x1e: {  	[tilespmem:s8+$0x16810] =	vst v1  }
.Ltmp0:
0x1f: {  	[tilespmem:s8+$0x16820] =	vst v1;
	(pc) =	sbr.rel @p1 .LBB2_2-.Ltmp0, $4  }
0x20: {  	[tilespmem:s8+$0x16830] =	vst v1  }
0x21: {  	[tilespmem:s8+$0x16840] =	vst v1  }
0x22: {  	[tilespmem:s8+$0x16850] =	vst v1  }
0x23: {  	[tilespmem:s8+$0x16860] =	vst v1;
	s8 =	sshra.s32 s9, $0x2;
	s9 =	sadd.s32 $0x200, s9  }
0x24: {  	[tilespmem:s8+$0x16870] =	vst v1  }
0x25: {  	[tilespmem:s8+$0x16800] =	vst v1  }
0x26: {  	[tilespmem:s8+$0x16810] =	vst v1  }
0x27: {  	[tilespmem:s8+$0x16820] =	vst v1  }
0x28: {  	[tilespmem:s8+$0x16830] =	vst v1  }
0x29: {  	[tilespmem:s8+$0x16840] =	vst v1  }
0x2a: {  	[tilespmem:s8+$0x16850] =	vst v1  }
0x2b: {  	[tilespmem:s8+$0x16860] =	vst v1  }
0x2c: {  	[spmem:s5] =	stream.linear.scatter [tilespmem:s17], [sflag:$0x3], $0x4000, $0x38;
	[tilespmem:$0x1E800] =	vst v63  }
0x2d: {  	_ =	swait.ge [sflag:s18], $0x4000  }
0x2e: {  	[sflag:s18] =	ssyncset.done $0x0  }
0x2f: {  	s11 =	rddreg [dreg:$0x4];
	[sflag:s18] =	ssyncadd.s32 $0xFFFFC000  }
0x30: {  	[spmem:s11] =	stream.linear.scatter [tilespmem:s17], [sflag:$0x3], $0x4000, $0x38;
	[tilespmem:$0x1E800] =	vst v63  }
0x31: {  	_ =	swait.ge [sflag:s18], $0x4000  }
0x32: {  	[sflag:s18] =	ssyncset.done $0x0  }
0x33: {  	s12 =	rddreg [dreg:$0x5];
	[sflag:s18] =	ssyncadd.s32 $0xFFFFC000  }
0x34: {  	[spmem:s12] =	stream.linear.scatter [tilespmem:s17], [sflag:$0x3], $0x4000, $0x38;
	[tilespmem:$0x1E800] =	vst v63  }
0x35: {  	_ =	swait.ge [sflag:s18], $0x4000  }
0x36: {  	[sflag:s18] =	ssyncset.done $0x0  }
0x37: {  	s9 =	rddreg [dreg:$0x6];
	[sflag:s18] =	ssyncadd.s32 $0xFFFFC000  }
0x38: {  	[spmem:s9] =	stream.linear.scatter [tilespmem:s17], [sflag:$0x3], $0x4000, $0x38;
	[tilespmem:$0x1E800] =	vst v63  }
0x39: {  	_ =	swait.ge [sflag:s18], $0x4000  }
0x3a: {  	[sflag:s18] =	ssyncset.done $0x0  }
0x3b: {  	s10 =	rddreg [dreg:$0x7];
	[sflag:s18] =	ssyncadd.s32 $0xFFFFC000  }
0x3c: {  	[spmem:s10] =	stream.linear.scatter [tilespmem:s17], [sflag:$0x3], $0x4000, $0x38;
	[tilespmem:$0x1E800] =	vst v63  }
0x3d: {  	_ =	swait.ge [sflag:s18], $0x4000  }
0x3e: {  	[sflag:s18] =	ssyncset.done $0x0  }
0x3f: {  	[sflag:s18] =	ssyncadd.s32 $0xFFFFC000  }
0x40: {  	[bflag:$0x0] =	sbarrier.arrive $0xFFFF  }
0x41: {  	s11 =	simm.s32 $0x0;
	s9 =	rddreg [dreg:$0x8]  }
0x42: {  	[tilespmem:s19], [sflag:$0x3] =	stream.linear.gather [hbm4b:s9+s11], $0x1400, $0x38;
	[tilespmem:$0x1E800] =	vst v63  }
0x43: {  	_ =	swait.ge [sflag:s18], $0x1400  }
0x44: {  	[sflag:s18] =	ssyncset.done $0x0  }
0x45: {  	s12 =	rddreg [dreg:$0x9];
	[sflag:s18] =	ssyncadd.s32 $0xFFFFEC00  }
0x46: {  	[tilespmem:s20], [sflag:$0x3] =	stream.linear.gather [hbm4b:s12+s11], $0x1400, $0x38;
	[tilespmem:$0x1E800] =	vst v63  }
0x47: {  	_ =	swait.ge [sflag:s18], $0x1400  }
0x48: {  	[sflag:s18] =	ssyncset.done $0x0  }
0x49: {  	s8 =	simm.s32 $0x0;
	[sflag:s18] =	ssyncadd.s32 $0xFFFFEC00  }
0x4a: {  	v3 =	vld [tilespmem:s8+$0x14000]  }
0x4b: {  	v4 =	vld [tilespmem:s8+$0x14010]  }
0x4c: {  	v6 =	vld [tilespmem:s8+$0x14020]  }
0x4d: {  	v5 =	vld [tilespmem:s8+$0x14030]  }
0x4e: {  	v2 =	vld [tilespmem:s8+$0x14040]  }
0x4f: {  	v7 =	vshll.u32 v3, $0x1;
	v3 =	vld [tilespmem:s8+$0x14050]  }
0x50: {  	s9 =	simm.s32 $0x200;
	v8 =	vshll.u32 v4, $0x1;
	v4 =	vld [tilespmem:s8+$0x14060];
	v7 =	vor.u32 v0, v7  }
.LBB2_4:
0x51: {  	s10 =	sshra.s32 s9, $0x2;
	p1 =	sne.s32 s9, $0x4E00;
	[tilespmem:s8+$0x14000] =	vst v7;
	v7 =	vor.u32 v0, v8;
	v6 =	vshll.u32 v6, $0x1;
	v8 =	vld [tilespmem:s8+$0x14070]  }
0x52: {  	v9 =	vld [tilespmem:s10+$0x14000];
	[tilespmem:s8+$0x14010] =	vst v7;
	v6 =	vor.u32 v0, v6;
	v5 =	vshll.u32 v5, $0x1  }
0x53: {  	v10 =	vld [tilespmem:s10+$0x14010];
	[tilespmem:s8+$0x14020] =	vst v6;
	v5 =	vor.u32 v0, v5;
	v2 =	vshll.u32 v2, $0x1  }
.Ltmp1:
0x54: {  	v6 =	vld [tilespmem:s10+$0x14020];
	[tilespmem:s8+$0x14030] =	vst v5;
	v2 =	vor.u32 v0, v2;
	v3 =	vshll.u32 v3, $0x1;
	(pc) =	sbr.rel @p1 .LBB2_4-.Ltmp1, $4  }
0x55: {  	v5 =	vld [tilespmem:s10+$0x14030];
	[tilespmem:s8+$0x14040] =	vst v2;
	v3 =	vor.u32 v0, v3;
	v4 =	vshll.u32 v4, $0x1  }
0x56: {  	v2 =	vld [tilespmem:s10+$0x14040];
	[tilespmem:s8+$0x14050] =	vst v3;
	v4 =	vor.u32 v0, v4;
	v7 =	vshll.u32 v8, $0x1  }
0x57: {  	v8 =	vshll.u32 v9, $0x1;
	v3 =	vld [tilespmem:s10+$0x14050];
	[tilespmem:s8+$0x14060] =	vst v4;
	v9 =	vor.u32 v0, v7  }
0x58: {  	s9 =	sadd.s32 $0x200, s9;
	v7 =	vor.u32 v0, v8;
	v8 =	vshll.u32 v10, $0x1;
	v4 =	vld [tilespmem:s10+$0x14060];
	[tilespmem:s8+$0x14070] =	vst v9;
	s8 =	smov.u32 s10  }
0x59: {  	[tilespmem:s8+$0x14000] =	vst v7;
	v62 =	vor.u32 v0, v8;
	v6 =	vshll.u32 v6, $0x1;
	v63 =	vld [tilespmem:s8+$0x14070]  }
0x5a: {  	[tilespmem:s8+$0x14010] =	vst v62;
	v6 =	vor.u32 v0, v6;
	v5 =	vshll.u32 v5, $0x1  }
0x5b: {  	[tilespmem:s8+$0x14020] =	vst v6;
	v5 =	vor.u32 v0, v5;
	v2 =	vshll.u32 v2, $0x1  }
0x5c: {  	[tilespmem:s8+$0x14030] =	vst v5;
	v2 =	vor.u32 v0, v2;
	v3 =	vshll.u32 v3, $0x1  }
0x5d: {  	[tilespmem:s8+$0x14040] =	vst v2;
	v2 =	vor.u32 v0, v3;
	v3 =	vshll.u32 v4, $0x1  }
0x5e: {  	[tilespmem:s8+$0x14050] =	vst v2;
	v2 =	vor.u32 v0, v3;
	v3 =	vshll.u32 v63, $0x1  }
0x5f: {  	[tilespmem:s8+$0x14060] =	vst v2;
	v2 =	vor.u32 v0, v3  }
0x60: {  	[tilespmem:s8+$0x14070] =	vst v2  }
0x61: {  	[tilespmem:s17], [sflag:$0x1] =	stream.indirect.gather [hbm4b:s1+s21], $0x80, s19, s21, $0xb8;
	[tilespmem:$0x1E800] =	vst v63  }
0x62: {  	_ = 	snop  }
0x63: {  	[tilespmem:s25], [sflag:$0x1] =	stream.indirect.gather [hbm4b:s1+s21], $0x80, s22, s21, $0xb8;
	[tilespmem:$0x1E800] =	vst v63  }
0x64: {  	s11 =	simm.s32 $0x14080  }
0x65: {  	[tilespmem:s26], [sflag:$0x2] =	stream.indirect.gather [hbm4b:s1+s21], $0x80, s11, s21, $0xb8;
	[tilespmem:$0x1E800] =	vst v63  }
0x66: {  	s12 =	simm.s32 $0x140C0  }
0x67: {  	[tilespmem:s28], [sflag:$0x2] =	stream.indirect.gather [hbm4b:s1+s21], $0x80, s12, s21, $0xb8;
	[tilespmem:$0x1E800] =	vst v63  }
0x68: {  	_ =	swait.ge [sflag:s29], $0x2000  }
0x69: {  	[sflag:s29] =	ssyncset.done $0x0  }
0x6a: {  	[sflag:s29] =	ssyncadd.s32 $0xFFFFE000  }
0x6b: {  	_ =	swait.ge [sflag:s29], $0x2000  }
0x6c: {  	[sflag:s29] =	ssyncset.done $0x0  }
0x6d: {  	s9 =	simm.s32 $0x15400;
	[sflag:s29] =	ssyncadd.s32 $0xFFFFE000  }
0x6e: {  	[spmem:s3] =	stream.indirect.scatter.add.f32 [tilespmem:s17], [sflag:$0x3], $0x80, s9, s30, $0xb8;
	[tilespmem:$0x1E800] =	vst v63  }
0x6f: {  	_ =	swait.ge [sflag:s18], $0x4000  }
0x70: {  	[sflag:s18] =	ssyncset.done $0x0  }
0x71: {  	s10 =	simm.s32 $0x14100;
	[sflag:s18] =	ssyncadd.s32 $0xFFFFC000  }
0x72: {  	[tilespmem:s17], [sflag:$0x1] =	stream.indirect.gather [hbm4b:s1+s21], $0x80, s10, s21, $0xb8;
	[tilespmem:$0x1E800] =	vst v63  }
0x73: {  	s11 =	simm.s32 $0x14140  }
0x74: {  	[tilespmem:s25], [sflag:$0x1] =	stream.indirect.gather [hbm4b:s1+s21], $0x80, s11, s21, $0xb8;
	[tilespmem:$0x1E800] =	vst v63  }
0x75: {  	_ =	swait.ge [sflag:s31], $0x2000  }
0x76: {  	[sflag:s31] =	ssyncset.done $0x0  }
0x77: {  	[sflag:s31] =	ssyncadd.s32 $0xFFFFE000  }
0x78: {  	_ =	swait.ge [sflag:s31], $0x2000  }
0x79: {  	[sflag:s31] =	ssyncset.done $0x0  }
0x7a: {  	s12 =	simm.s32 $0x15480;
	[sflag:s31] =	ssyncadd.s32 $0xFFFFE000  }
0x7b: {  	[spmem:s3] =	stream.indirect.scatter.add.f32 [tilespmem:s26], [sflag:$0x3], $0x80, s12, s30, $0xb8;
	[tilespmem:$0x1E800] =	vst v63  }
0x7c: {  	_ =	swait.ge [sflag:s18], $0x4000  }
0x7d: {  	s8 =	simm.s32 $0x100;
	s9 =	simm.s32 $0x800;
	[sflag:s18] =	ssyncset.done $0x0  }
.LBB2_6:
0x7e: {  	s10 =	sadd.s32 $0x14080, s8  }
0x7f: {  	[sflag:s18] =	ssyncadd.s32 $0xFFFFC000;
	s11 =	smov.u32 s9;
	s12 =	sadd.s32 $0x400, s9  }
0x80: {  	[tilespmem:s26], [sflag:$0x2] =	stream.indirect.gather [hbm4b:s1+s21], $0x80, s10, s21, $0xb8;
	[tilespmem:$0x1E800] =	vst v63  }
0x81: {  	p1 =	sne.s32 s9, $0x4800;
	s9 =	sadd.s32 $0x140C0, s8  }
0x82: {  	[tilespmem:s28], [sflag:$0x2] =	stream.indirect.gather [hbm4b:s1+s21], $0x80, s9, s21, $0xb8;
	[tilespmem:$0x1E800] =	vst v63  }
0x83: {  	_ =	swait.ge [sflag:s29], $0x2000  }
0x84: {  	[sflag:s29] =	ssyncset.done $0x0  }
0x85: {  	[sflag:s29] =	ssyncadd.s32 $0xFFFFE000  }
0x86: {  	_ =	swait.ge [sflag:s29], $0x2000  }
0x87: {  	[sflag:s29] =	ssyncset.done $0x0  }
0x88: {  	s9 =	sadd.s32 $0x15400, s8;
	[sflag:s29] =	ssyncadd.s32 $0xFFFFE000  }
0x89: {  	[spmem:s3] =	stream.indirect.scatter.add.f32 [tilespmem:s17], [sflag:$0x3], $0x80, s9, s30, $0xb8;
	[tilespmem:$0x1E800] =	vst v63  }
0x8a: {  	_ =	swait.ge [sflag:s18], $0x4000  }
0x8b: {  	[sflag:s18] =	ssyncset.done $0x0  }
0x8c: {  	s9 =	sadd.s32 $0x14100, s8;
	[sflag:s18] =	ssyncadd.s32 $0xFFFFC000  }
0x8d: {  	[tilespmem:s17], [sflag:$0x1] =	stream.indirect.gather [hbm4b:s1+s21], $0x80, s9, s21, $0xb8;
	[tilespmem:$0x1E800] =	vst v63  }
0x8e: {  	s9 =	sadd.s32 $0x14140, s8  }
0x8f: {  	[tilespmem:s25], [sflag:$0x1] =	stream.indirect.gather [hbm4b:s1+s21], $0x80, s9, s21, $0xb8;
	[tilespmem:$0x1E800] =	vst v63  }
0x90: {  	_ =	swait.ge [sflag:s31], $0x2000  }
0x91: {  	[sflag:s31] =	ssyncset.done $0x0  }
0x92: {  	[sflag:s31] =	ssyncadd.s32 $0xFFFFE000  }
0x93: {  	_ =	swait.ge [sflag:s31], $0x2000  }
.Ltmp2:
0x94: {  	[sflag:s31] =	ssyncset.done $0x0;
	(pc) =	sbr.rel @p1 .LBB2_6-.Ltmp2, $4  }
0x95: {  	s8 =	sadd.s32 $0x15480, s8;
	[sflag:s31] =	ssyncadd.s32 $0xFFFFE000  }
0x96: {  	[spmem:s3] =	stream.indirect.scatter.add.f32 [tilespmem:s26], [sflag:$0x3], $0x80, s8, s30, $0xb8;
	[tilespmem:$0x1E800] =	vst v63  }
0x97: {  	_ =	swait.ge [sflag:s18], $0x4000  }
0x98: {  	s9 =	smov.u32 s12;
	s8 =	sshra.s32 s11, $0x2;
	[sflag:s18] =	ssyncset.done $0x0  }
0x99: {  	s9 =	sadd.s32 $0x14080, s8;
	[sflag:s18] =	ssyncadd.s32 $0xFFFFC000  }
0x9a: {  	[tilespmem:s26], [sflag:$0x2] =	stream.indirect.gather [hbm4b:s1+s21], $0x80, s9, s21, $0xb8;
	[tilespmem:$0x1E800] =	vst v63  }
0x9b: {  	s12 =	sadd.s32 $0x140C0, s8  }
0x9c: {  	[tilespmem:s28], [sflag:$0x2] =	stream.indirect.gather [hbm4b:s1+s21], $0x80, s12, s21, $0xb8;
	[tilespmem:$0x1E800] =	vst v63  }
0x9d: {  	_ =	swait.ge [sflag:s29], $0x2000  }
0x9e: {  	[sflag:s29] =	ssyncset.done $0x0  }
0x9f: {  	[sflag:s29] =	ssyncadd.s32 $0xFFFFE000  }
0xa0: {  	_ =	swait.ge [sflag:s29], $0x2000  }
0xa1: {  	[sflag:s29] =	ssyncset.done $0x0  }
0xa2: {  	s10 =	sadd.s32 $0x15400, s8;
	[sflag:s29] =	ssyncadd.s32 $0xFFFFE000  }
0xa3: {  	[spmem:s3] =	stream.indirect.scatter.add.f32 [tilespmem:s17], [sflag:$0x3], $0x80, s10, s30, $0xb8;
	[tilespmem:$0x1E800] =	vst v63  }
0xa4: {  	_ =	swait.ge [sflag:s18], $0x4000  }
0xa5: {  	[sflag:s18] =	ssyncset.done $0x0  }
0xa6: {  	s11 =	sadd.s32 $0x14100, s8;
	[sflag:s18] =	ssyncadd.s32 $0xFFFFC000  }
0xa7: {  	[tilespmem:s17], [sflag:$0x1] =	stream.indirect.gather [hbm4b:s1+s21], $0x80, s11, s21, $0xb8;
	[tilespmem:$0x1E800] =	vst v63  }
0xa8: {  	s12 =	sadd.s32 $0x14140, s8  }
0xa9: {  	[tilespmem:s25], [sflag:$0x1] =	stream.indirect.gather [hbm4b:s1+s21], $0x80, s12, s21, $0xb8;
	[tilespmem:$0x1E800] =	vst v63  }
0xaa: {  	_ =	swait.ge [sflag:s31], $0x2000  }
0xab: {  	[sflag:s31] =	ssyncset.done $0x0  }
0xac: {  	[sflag:s31] =	ssyncadd.s32 $0xFFFFE000  }
0xad: {  	_ =	swait.ge [sflag:s31], $0x2000  }
0xae: {  	[sflag:s31] =	ssyncset.done $0x0  }
0xaf: {  	s10 =	sadd.s32 $0x15480, s8;
	[sflag:s31] =	ssyncadd.s32 $0xFFFFE000  }
0xb0: {  	[spmem:s3] =	stream.indirect.scatter.add.f32 [tilespmem:s26], [sflag:$0x3], $0x80, s10, s30, $0xb8;
	[tilespmem:$0x1E800] =	vst v63  }
0xb1: {  	_ =	swait.ge [sflag:s18], $0x4000  }
0xb2: {  	[sflag:s18] =	ssyncset.done $0x0  }
0xb3: {  	[sflag:s18] =	ssyncadd.s32 $0xFFFFC000  }
0xb4: {  	[tilespmem:s26], [sflag:$0x2] =	stream.indirect.gather [hbm4b:s1+s21], $0x80, s0, s21, $0xb8;
	[tilespmem:$0x1E800] =	vst v63  }
0xb5: {  	_ = 	snop  }
0xb6: {  	[tilespmem:s28], [sflag:$0x2] =	stream.indirect.gather [hbm4b:s1+s21], $0x80, s2, s21, $0xb8;
	[tilespmem:$0x1E800] =	vst v63  }
0xb7: {  	_ =	swait.ge [sflag:s29], $0x2000  }
0xb8: {  	[sflag:s29] =	ssyncset.done $0x0  }
0xb9: {  	[sflag:s29] =	ssyncadd.s32 $0xFFFFE000  }
0xba: {  	_ =	swait.ge [sflag:s29], $0x2000  }
0xbb: {  	[sflag:s29] =	ssyncset.done $0x0  }
0xbc: {  	[sflag:s29] =	ssyncadd.s32 $0xFFFFE000  }
0xbd: {  	[spmem:s3] =	stream.indirect.scatter.add.f32 [tilespmem:s17], [sflag:$0x3], $0x80, s6, s30, $0xb8;
	[tilespmem:$0x1E800] =	vst v63  }
0xbe: {  	_ =	swait.ge [sflag:s18], $0x4000  }
0xbf: {  	[sflag:s18] =	ssyncset.done $0x0  }
0xc0: {  	[sflag:s18] =	ssyncadd.s32 $0xFFFFC000  }
0xc1: {  	_ =	swait.ge [sflag:s31], $0x2000  }
0xc2: {  	[sflag:s31] =	ssyncset.done $0x0  }
0xc3: {  	[sflag:s31] =	ssyncadd.s32 $0xFFFFE000  }
0xc4: {  	_ =	swait.ge [sflag:s31], $0x2000  }
0xc5: {  	[sflag:s31] =	ssyncset.done $0x0  }
0xc6: {  	[sflag:s31] =	ssyncadd.s32 $0xFFFFE000  }
0xc7: {  	[spmem:s3] =	stream.indirect.scatter.add.f32 [tilespmem:s26], [sflag:$0x3], $0x80, s7, s30, $0xb8;
	[tilespmem:$0x1E800] =	vst v63  }
0xc8: {  	_ =	swait.ge [sflag:s18], $0x4000  }
0xc9: {  	[sflag:s18] =	ssyncset.done $0x0  }
0xca: {  	s11 =	simm.s32 $0x0;
	s12 =	rddreg [dreg:$0xa];
	[sflag:s18] =	ssyncadd.s32 $0xFFFFC000  }
0xcb: {  	[tilespmem:s19], [sflag:$0x3] =	stream.linear.gather [hbm4b:s12+s11], $0x1400, $0x38;
	[tilespmem:$0x1E800] =	vst v63  }
0xcc: {  	_ =	swait.ge [sflag:s18], $0x1400  }
0xcd: {  	[sflag:s18] =	ssyncset.done $0x0  }
0xce: {  	[sflag:s18] =	ssyncadd.s32 $0xFFFFEC00  }
0xcf: {  	[tilespmem:s20], [sflag:$0x3] =	stream.linear.gather [hbm4b:s13+s11], $0x1400, $0x38;
	[tilespmem:$0x1E800] =	vst v63  }
0xd0: {  	_ =	swait.ge [sflag:s18], $0x1400  }
0xd1: {  	[sflag:s18] =	ssyncset.done $0x0  }
0xd2: {  	s8 =	simm.s32 $0x0;
	[sflag:s18] =	ssyncadd.s32 $0xFFFFEC00  }
0xd3: {  	v3 =	vld [tilespmem:s8+$0x14000]  }
0xd4: {  	v4 =	vld [tilespmem:s8+$0x14010]  }
0xd5: {  	v6 =	vld [tilespmem:s8+$0x14020]  }
0xd6: {  	v5 =	vld [tilespmem:s8+$0x14030]  }
0xd7: {  	v2 =	vld [tilespmem:s8+$0x14040]  }
0xd8: {  	v7 =	vshll.u32 v3, $0x1;
	v3 =	vld [tilespmem:s8+$0x14050]  }
0xd9: {  	s9 =	simm.s32 $0x200;
	v8 =	vshll.u32 v4, $0x1;
	v4 =	vld [tilespmem:s8+$0x14060];
	v7 =	vor.u32 v0, v7  }
.LBB2_8:
0xda: {  	s10 =	sshra.s32 s9, $0x2;
	p1 =	sne.s32 s9, $0x4E00;
	[tilespmem:s8+$0x14000] =	vst v7;
	v7 =	vor.u32 v0, v8;
	v6 =	vshll.u32 v6, $0x1;
	v8 =	vld [tilespmem:s8+$0x14070]  }
0xdb: {  	v9 =	vld [tilespmem:s10+$0x14000];
	[tilespmem:s8+$0x14010] =	vst v7;
	v6 =	vor.u32 v0, v6;
	v5 =	vshll.u32 v5, $0x1  }
0xdc: {  	v10 =	vld [tilespmem:s10+$0x14010];
	[tilespmem:s8+$0x14020] =	vst v6;
	v5 =	vor.u32 v0, v5;
	v2 =	vshll.u32 v2, $0x1  }
.Ltmp3:
0xdd: {  	v6 =	vld [tilespmem:s10+$0x14020];
	[tilespmem:s8+$0x14030] =	vst v5;
	v2 =	vor.u32 v0, v2;
	v3 =	vshll.u32 v3, $0x1;
	(pc) =	sbr.rel @p1 .LBB2_8-.Ltmp3, $4  }
0xde: {  	v5 =	vld [tilespmem:s10+$0x14030];
	[tilespmem:s8+$0x14040] =	vst v2;
	v3 =	vor.u32 v0, v3;
	v4 =	vshll.u32 v4, $0x1  }
0xdf: {  	v2 =	vld [tilespmem:s10+$0x14040];
	[tilespmem:s8+$0x14050] =	vst v3;
	v4 =	vor.u32 v0, v4;
	v7 =	vshll.u32 v8, $0x1  }
0xe0: {  	v8 =	vshll.u32 v9, $0x1;
	v3 =	vld [tilespmem:s10+$0x14050];
	[tilespmem:s8+$0x14060] =	vst v4;
	v9 =	vor.u32 v0, v7  }
0xe1: {  	s9 =	sadd.s32 $0x200, s9;
	v7 =	vor.u32 v0, v8;
	v8 =	vshll.u32 v10, $0x1;
	v4 =	vld [tilespmem:s10+$0x14060];
	[tilespmem:s8+$0x14070] =	vst v9;
	s8 =	smov.u32 s10  }
0xe2: {  	[tilespmem:s8+$0x14000] =	vst v7;
	v62 =	vor.u32 v0, v8;
	v6 =	vshll.u32 v6, $0x1;
	v63 =	vld [tilespmem:s8+$0x14070]  }
0xe3: {  	[tilespmem:s8+$0x14010] =	vst v62;
	v6 =	vor.u32 v0, v6;
	v5 =	vshll.u32 v5, $0x1  }
0xe4: {  	[tilespmem:s8+$0x14020] =	vst v6;
	v5 =	vor.u32 v0, v5;
	v2 =	vshll.u32 v2, $0x1  }
0xe5: {  	[tilespmem:s8+$0x14030] =	vst v5;
	v2 =	vor.u32 v0, v2;
	v3 =	vshll.u32 v3, $0x1  }
0xe6: {  	[tilespmem:s8+$0x14040] =	vst v2;
	v2 =	vor.u32 v0, v3;
	v3 =	vshll.u32 v4, $0x1  }
0xe7: {  	[tilespmem:s8+$0x14050] =	vst v2;
	v2 =	vor.u32 v0, v3;
	v3 =	vshll.u32 v63, $0x1  }
0xe8: {  	[tilespmem:s8+$0x14060] =	vst v2;
	v2 =	vor.u32 v0, v3  }
0xe9: {  	[tilespmem:s8+$0x14070] =	vst v2  }
0xea: {  	[tilespmem:s17], [sflag:$0x1] =	stream.indirect.gather [hbm4b:s1+s21], $0x80, s19, s21, $0xb8;
	[tilespmem:$0x1E800] =	vst v63  }
0xeb: {  	_ = 	snop  }
0xec: {  	[tilespmem:s25], [sflag:$0x1] =	stream.indirect.gather [hbm4b:s1+s21], $0x80, s22, s21, $0xb8;
	[tilespmem:$0x1E800] =	vst v63  }
0xed: {  	s11 =	simm.s32 $0x14080  }
0xee: {  	[tilespmem:s26], [sflag:$0x2] =	stream.indirect.gather [hbm4b:s1+s21], $0x80, s11, s21, $0xb8;
	[tilespmem:$0x1E800] =	vst v63  }
0xef: {  	s12 =	simm.s32 $0x140C0  }
0xf0: {  	[tilespmem:s28], [sflag:$0x2] =	stream.indirect.gather [hbm4b:s1+s21], $0x80, s12, s21, $0xb8;
	[tilespmem:$0x1E800] =	vst v63  }
0xf1: {  	_ =	swait.ge [sflag:s29], $0x2000  }
0xf2: {  	[sflag:s29] =	ssyncset.done $0x0  }
0xf3: {  	[sflag:s29] =	ssyncadd.s32 $0xFFFFE000  }
0xf4: {  	_ =	swait.ge [sflag:s29], $0x2000  }
0xf5: {  	[sflag:s29] =	ssyncset.done $0x0  }
0xf6: {  	s9 =	simm.s32 $0x15400;
	[sflag:s29] =	ssyncadd.s32 $0xFFFFE000  }
0xf7: {  	[spmem:s3] =	stream.indirect.scatter.add.f32 [tilespmem:s17], [sflag:$0x3], $0x80, s9, s30, $0xb8;
	[tilespmem:$0x1E800] =	vst v63  }
0xf8: {  	_ =	swait.ge [sflag:s18], $0x4000  }
0xf9: {  	[sflag:s18] =	ssyncset.done $0x0  }
0xfa: {  	s10 =	simm.s32 $0x14100;
	[sflag:s18] =	ssyncadd.s32 $0xFFFFC000  }
0xfb: {  	[tilespmem:s17], [sflag:$0x1] =	stream.indirect.gather [hbm4b:s1+s21], $0x80, s10, s21, $0xb8;
	[tilespmem:$0x1E800] =	vst v63  }
0xfc: {  	s11 =	simm.s32 $0x14140  }
0xfd: {  	[tilespmem:s25], [sflag:$0x1] =	stream.indirect.gather [hbm4b:s1+s21], $0x80, s11, s21, $0xb8;
	[tilespmem:$0x1E800] =	vst v63  }
0xfe: {  	_ =	swait.ge [sflag:s31], $0x2000  }
0xff: {  	[sflag:s31] =	ssyncset.done $0x0  }
0x100: {  	[sflag:s31] =	ssyncadd.s32 $0xFFFFE000  }
0x101: {  	_ =	swait.ge [sflag:s31], $0x2000  }
0x102: {  	[sflag:s31] =	ssyncset.done $0x0  }
0x103: {  	s12 =	simm.s32 $0x15480;
	[sflag:s31] =	ssyncadd.s32 $0xFFFFE000  }
0x104: {  	[spmem:s3] =	stream.indirect.scatter.add.f32 [tilespmem:s26], [sflag:$0x3], $0x80, s12, s30, $0xb8;
	[tilespmem:$0x1E800] =	vst v63  }
0x105: {  	_ =	swait.ge [sflag:s18], $0x4000  }
0x106: {  	s8 =	simm.s32 $0x100;
	s9 =	simm.s32 $0x800;
	[sflag:s18] =	ssyncset.done $0x0  }
.LBB2_10:
0x107: {  	s10 =	sadd.s32 $0x14080, s8  }
0x108: {  	[sflag:s18] =	ssyncadd.s32 $0xFFFFC000;
	s11 =	smov.u32 s9;
	s12 =	sadd.s32 $0x400, s9  }
0x109: {  	[tilespmem:s26], [sflag:$0x2] =	stream.indirect.gather [hbm4b:s1+s21], $0x80, s10, s21, $0xb8;
	[tilespmem:$0x1E800] =	vst v63  }
0x10a: {  	p1 =	sne.s32 s9, $0x4800;
	s9 =	sadd.s32 $0x140C0, s8  }
0x10b: {  	[tilespmem:s28], [sflag:$0x2] =	stream.indirect.gather [hbm4b:s1+s21], $0x80, s9, s21, $0xb8;
	[tilespmem:$0x1E800] =	vst v63  }
0x10c: {  	_ =	swait.ge [sflag:s29], $0x2000  }
0x10d: {  	[sflag:s29] =	ssyncset.done $0x0  }
0x10e: {  	[sflag:s29] =	ssyncadd.s32 $0xFFFFE000  }
0x10f: {  	_ =	swait.ge [sflag:s29], $0x2000  }
0x110: {  	[sflag:s29] =	ssyncset.done $0x0  }
0x111: {  	s9 =	sadd.s32 $0x15400, s8;
	[sflag:s29] =	ssyncadd.s32 $0xFFFFE000  }
0x112: {  	[spmem:s3] =	stream.indirect.scatter.add.f32 [tilespmem:s17], [sflag:$0x3], $0x80, s9, s30, $0xb8;
	[tilespmem:$0x1E800] =	vst v63  }
0x113: {  	_ =	swait.ge [sflag:s18], $0x4000  }
0x114: {  	[sflag:s18] =	ssyncset.done $0x0  }
0x115: {  	s9 =	sadd.s32 $0x14100, s8;
	[sflag:s18] =	ssyncadd.s32 $0xFFFFC000  }
0x116: {  	[tilespmem:s17], [sflag:$0x1] =	stream.indirect.gather [hbm4b:s1+s21], $0x80, s9, s21, $0xb8;
	[tilespmem:$0x1E800] =	vst v63  }
0x117: {  	s9 =	sadd.s32 $0x14140, s8  }
0x118: {  	[tilespmem:s25], [sflag:$0x1] =	stream.indirect.gather [hbm4b:s1+s21], $0x80, s9, s21, $0xb8;
	[tilespmem:$0x1E800] =	vst v63  }
0x119: {  	_ =	swait.ge [sflag:s31], $0x2000  }
0x11a: {  	[sflag:s31] =	ssyncset.done $0x0  }
0x11b: {  	[sflag:s31] =	ssyncadd.s32 $0xFFFFE000  }
0x11c: {  	_ =	swait.ge [sflag:s31], $0x2000  }
.Ltmp4:
0x11d: {  	[sflag:s31] =	ssyncset.done $0x0;
	(pc) =	sbr.rel @p1 .LBB2_10-.Ltmp4, $4  }
0x11e: {  	s8 =	sadd.s32 $0x15480, s8;
	[sflag:s31] =	ssyncadd.s32 $0xFFFFE000  }
0x11f: {  	[spmem:s3] =	stream.indirect.scatter.add.f32 [tilespmem:s26], [sflag:$0x3], $0x80, s8, s30, $0xb8;
	[tilespmem:$0x1E800] =	vst v63  }
0x120: {  	_ =	swait.ge [sflag:s18], $0x4000  }
0x121: {  	s9 =	smov.u32 s12;
	s8 =	sshra.s32 s11, $0x2;
	[sflag:s18] =	ssyncset.done $0x0  }
0x122: {  	s9 =	sadd.s32 $0x14080, s8;
	[sflag:s18] =	ssyncadd.s32 $0xFFFFC000  }
0x123: {  	[tilespmem:s26], [sflag:$0x2] =	stream.indirect.gather [hbm4b:s1+s21], $0x80, s9, s21, $0xb8;
	[tilespmem:$0x1E800] =	vst v63  }
0x124: {  	s10 =	sadd.s32 $0x140C0, s8  }
0x125: {  	[tilespmem:s28], [sflag:$0x2] =	stream.indirect.gather [hbm4b:s1+s21], $0x80, s10, s21, $0xb8;
	[tilespmem:$0x1E800] =	vst v63  }
0x126: {  	_ =	swait.ge [sflag:s29], $0x2000  }
0x127: {  	[sflag:s29] =	ssyncset.done $0x0  }
0x128: {  	[sflag:s29] =	ssyncadd.s32 $0xFFFFE000  }
0x129: {  	_ =	swait.ge [sflag:s29], $0x2000  }
0x12a: {  	[sflag:s29] =	ssyncset.done $0x0  }
0x12b: {  	s11 =	sadd.s32 $0x15400, s8;
	[sflag:s29] =	ssyncadd.s32 $0xFFFFE000  }
0x12c: {  	[spmem:s3] =	stream.indirect.scatter.add.f32 [tilespmem:s17], [sflag:$0x3], $0x80, s11, s30, $0xb8;
	[tilespmem:$0x1E800] =	vst v63  }
0x12d: {  	_ =	swait.ge [sflag:s18], $0x4000  }
0x12e: {  	[sflag:s18] =	ssyncset.done $0x0  }
0x12f: {  	s12 =	sadd.s32 $0x14100, s8;
	[sflag:s18] =	ssyncadd.s32 $0xFFFFC000  }
0x130: {  	[tilespmem:s17], [sflag:$0x1] =	stream.indirect.gather [hbm4b:s1+s21], $0x80, s12, s21, $0xb8;
	[tilespmem:$0x1E800] =	vst v63  }
0x131: {  	s10 =	sadd.s32 $0x14140, s8  }
0x132: {  	[tilespmem:s25], [sflag:$0x1] =	stream.indirect.gather [hbm4b:s1+s21], $0x80, s10, s21, $0xb8;
	[tilespmem:$0x1E800] =	vst v63  }
0x133: {  	_ =	swait.ge [sflag:s31], $0x2000  }
0x134: {  	[sflag:s31] =	ssyncset.done $0x0  }
0x135: {  	[sflag:s31] =	ssyncadd.s32 $0xFFFFE000  }
0x136: {  	_ =	swait.ge [sflag:s31], $0x2000  }
0x137: {  	[sflag:s31] =	ssyncset.done $0x0  }
0x138: {  	s11 =	sadd.s32 $0x15480, s8;
	[sflag:s31] =	ssyncadd.s32 $0xFFFFE000  }
0x139: {  	[spmem:s3] =	stream.indirect.scatter.add.f32 [tilespmem:s26], [sflag:$0x3], $0x80, s11, s30, $0xb8;
	[tilespmem:$0x1E800] =	vst v63  }
0x13a: {  	_ =	swait.ge [sflag:s18], $0x4000  }
0x13b: {  	[sflag:s18] =	ssyncset.done $0x0  }
0x13c: {  	[sflag:s18] =	ssyncadd.s32 $0xFFFFC000  }
0x13d: {  	[tilespmem:s26], [sflag:$0x2] =	stream.indirect.gather [hbm4b:s1+s21], $0x80, s0, s21, $0xb8;
	[tilespmem:$0x1E800] =	vst v63  }
0x13e: {  	_ = 	snop  }
0x13f: {  	[tilespmem:s28], [sflag:$0x2] =	stream.indirect.gather [hbm4b:s1+s21], $0x80, s2, s21, $0xb8;
	[tilespmem:$0x1E800] =	vst v63  }
0x140: {  	_ =	swait.ge [sflag:s29], $0x2000  }
0x141: {  	[sflag:s29] =	ssyncset.done $0x0  }
0x142: {  	[sflag:s29] =	ssyncadd.s32 $0xFFFFE000  }
0x143: {  	_ =	swait.ge [sflag:s29], $0x2000  }
0x144: {  	[sflag:s29] =	ssyncset.done $0x0  }
0x145: {  	[sflag:s29] =	ssyncadd.s32 $0xFFFFE000  }
0x146: {  	[spmem:s3] =	stream.indirect.scatter.add.f32 [tilespmem:s17], [sflag:$0x3], $0x80, s6, s30, $0xb8;
	[tilespmem:$0x1E800] =	vst v63  }
0x147: {  	_ =	swait.ge [sflag:s18], $0x4000  }
0x148: {  	[sflag:s18] =	ssyncset.done $0x0  }
0x149: {  	[sflag:s18] =	ssyncadd.s32 $0xFFFFC000  }
0x14a: {  	_ =	swait.ge [sflag:s31], $0x2000  }
0x14b: {  	[sflag:s31] =	ssyncset.done $0x0  }
0x14c: {  	[sflag:s31] =	ssyncadd.s32 $0xFFFFE000  }
0x14d: {  	_ =	swait.ge [sflag:s31], $0x2000  }
0x14e: {  	[sflag:s31] =	ssyncset.done $0x0  }
0x14f: {  	[sflag:s31] =	ssyncadd.s32 $0xFFFFE000  }
0x150: {  	[spmem:s3] =	stream.indirect.scatter.add.f32 [tilespmem:s26], [sflag:$0x3], $0x80, s7, s30, $0xb8;
	[tilespmem:$0x1E800] =	vst v63  }
0x151: {  	_ =	swait.ge [sflag:s18], $0x4000  }
0x152: {  	s12 =	stileid.u32;
	[sflag:s18] =	ssyncset.done $0x0  }
0x153: {  	s8 =	sshll.u32 s12, $0x6;
	[sflag:s18] =	ssyncadd.s32 $0xFFFFC000  }
0x154: {  	s8 =	sor.u32 $0x1C03, s8;
	[bflag:$0x0] =	sbarrier.arrive $0xFFFF  }
0x155: {  	[hbm:s14], [sflag:s8] =	dma.local [spmem:s23], $0x1900  }
0x156: {  	_ =	swait.ge [sflag:s18], $0x1900  }
0x157: {  	s4 =	sadd.s32 $0x1, s4;
	[sflag:s18] =	ssyncset.done $0x0  }
0x158: {  	p1 =	sne.s32 s4, s16;
	[sflag:s18] =	ssyncadd.s32 $0xFFFFE700  }
0x159: {  	[hbm:s15], [sflag:s8] =	dma.local @!p0 [spmem:s24], $0x1900  }
.Ltmp5:
0x15a: {  	_ = 	snop;
	(pc) =	sbr.rel @p1 .LBB2_1-.Ltmp5, $4  }
0x15b: {  	s8 =	simm.s32 @!p0 $0x3  }
0x15c: {  	_ =	swait.ge @!p0 [sflag:s8], $0x1900  }
0x15d: {  	[sflag:s8] =	ssyncset.done @!p0 $0x0  }
0x15e: {  	[sflag:s8] =	ssyncadd.s32 @!p0 $0xFFFFE700  }
0x15f: {  	_ =	sfence.sel $0x180000  }
0x160: {  	[bflag:$0x0] =	sbarrier.arrive $0xFFFF  }
0x161: {  	_ =	strace $0x90000047  }
0x162: {  	s0 =	stileid.u32;
	[bflag:$0x2] =	sbarrier.arrive $0xFFFF  }
0x163: {  	p0 =	sne.s32 s0, $0x0;
	s0 =	rddreg [dreg:$0x3]  }
0x164: {  	s0 =	sadd.s32 @!p0 $0x100000, s0  }
0x165: {  	[sflag:s0] =	ssyncadd.tile.s32 @!p0 $0x1;
	_ =	shalt  }
.Lfunc_end2:
_tile_overlayer_lowered:
.L_overlay_start_2:
0x166: {  	(tag) =	ssettag $0x2  }
0x167: {  	s0 =	rddreg [dreg:$0x0];
	s2 =	stileid.u32  }
0x168: {  	s1 =	rddreg [dreg:$0x1];
	p0 =	sne.s32 s2, $0x0  }
0x169: {  	s3 =	rddreg [dreg:$0x2];
	[bflag:$0x3] =	sbarrier.arrive $0xFFFF;
	s2 =	simm.s32 @!p0 $0x1C03  }
0x16a: {  	[timem:s3], [sflag:s2] =	dma.local @!p0 [hbm:s0], s1  }
0x16b: {  	s0 =	simm.s32 @!p0 $0x3  }
0x16c: {  	_ =	swait.ge @!p0 [sflag:s0], s1  }
0x16d: {  	s1 =	ssub.s32 @!p0 $0x0, s1;
	[sflag:s0] =	ssyncset.done @!p0 $0x0  }
0x16e: {  	[sflag:s0] =	ssyncadd.s32 @!p0 s1  }
0x16f: {  	[bflag:$0x3] =	sbarrier.arrive $0xFFFF  }
0x170: {  	_ =	shalt  }

</sc_bundles>
